<compile_context>
chip_gen: v7x
topology: tpu7x:2x2x1
jax: 0.10.2.dev20260603
libtpu: 0.0.44.dev20260713+nightly
codegen_flags: <defaults>
</compile_context>

<pallas_src>
import functools

import jax
import jax.numpy as jnp
from jax import lax
from jax.experimental import pallas as pl
from jax.experimental.pallas import tpu as pltpu
from jax.experimental.pallas import tpu_sc as plsc

VOCAB_SIZE = 1000000
EMB_DIM = 64
SUBLANES = 8
LANES = 16
NUM_CORES = 2
NUM_SUBCORES = 16
NUM_WORKERS = NUM_CORES * NUM_SUBCORES


def _sc_embed_body(words_hbm, table_hbm, out_hbm, idx_v, tile_v, row_v, oov_v,
                   rows_v, sem):
    b_per_w = idx_v.shape[0]
    wid = lax.axis_index("s") * NUM_CORES + lax.axis_index("c")
    base = wid * b_per_w

    pltpu.sync_copy(words_hbm.at[pl.ds(base, b_per_w)], idx_v)

    n_groups = b_per_w // LANES
    lane_iota = lax.iota(jnp.int32, LANES)
    zeros_i = jnp.zeros((LANES,), jnp.int32)
    ones_i = jnp.ones((LANES,), jnp.int32)

    def group_step(g, n_oov):
        v = idx_v[pl.ds(g * LANES, LANES)]
        in_vocab = v < VOCAB_SIZE
        safe = jnp.where(in_vocab, v, 0)
        tile_v[pl.ds(g * LANES, LANES)] = lax.shift_right_logical(safe, 3)
        row_v[pl.ds(g * LANES, LANES)] = lax.bitwise_and(safe, 7)
        oov = v >= VOCAB_SIZE
        oov_i32 = jnp.where(in_vocab, zeros_i, ones_i)
        pos = plsc.cumsum(oov_i32)
        tgt = jnp.full((LANES,), n_oov, jnp.int32) + pos - ones_i
        rowids = lane_iota + jnp.full((LANES,), g * LANES, jnp.int32)
        plsc.store_scatter(oov_v, [tgt], rowids, mask=oov)
        return n_oov + jnp.sum(oov_i32)

    n_oov = lax.fori_loop(0, n_groups, group_step, jnp.int32(0))

    def fetch(g, carry):
        t16 = tile_v[pl.ds(g * LANES, LANES)]
        r16 = row_v[pl.ds(g * LANES, LANES)]
        for k in range(LANES):
            pltpu.async_copy(table_hbm.at[t16[k], r16[k]],
                             rows_v.at[g * LANES + k], sem)
        return carry

    lax.fori_loop(0, n_groups, fetch, jnp.int32(0))

    def drain(j, carry):
        pltpu.make_async_copy(table_hbm.at[0, 0], rows_v.at[0], sem).wait()
        return carry

    lax.fori_loop(0, b_per_w, drain, jnp.int32(0))

    zeros_f = jnp.zeros((LANES,), jnp.float32)

    def zero_chunk(c, carry):
        r = oov_v[pl.ds(c * LANES, LANES)]
        lane_pos = lane_iota + jnp.full((LANES,), c * LANES, jnp.int32)
        valid = lane_pos < jnp.full((LANES,), n_oov, jnp.int32)
        for d in range(EMB_DIM):
            plsc.store_scatter(rows_v, [r, jnp.full((LANES,), d, jnp.int32)],
                               zeros_f, mask=valid)
        return carry

    lax.fori_loop(0, (n_oov + LANES - 1) // LANES, zero_chunk, jnp.int32(0))

    pltpu.sync_copy(rows_v, out_hbm.at[pl.ds(base, b_per_w)])


def kernel(words, table):
    batch = words.shape[0]
    b_per_w = batch // NUM_WORKERS
    vocab = table.shape[0]
    table3 = table.reshape(vocab // SUBLANES, SUBLANES, EMB_DIM)
    mesh = plsc.VectorSubcoreMesh(core_axis_name="c", subcore_axis_name="s")
    run = pl.kernel(
        _sc_embed_body,
        out_type=jax.ShapeDtypeStruct((batch, EMB_DIM), jnp.float32),
        mesh=mesh,
        scratch_types=[
            pltpu.VMEM((b_per_w,), jnp.int32),
            pltpu.VMEM((b_per_w,), jnp.int32),
            pltpu.VMEM((b_per_w,), jnp.int32),
            pltpu.VMEM((b_per_w + LANES,), jnp.int32),
            pltpu.VMEM((b_per_w, EMB_DIM), jnp.float32),
            pltpu.SemaphoreType.DMA,
        ],
        compiler_params=pltpu.CompilerParams(needs_layout_passes=False),
    )
    return run(words, table3)

# --- scband reference (transcript-rebuilt; emitter-appended) ---
"""Pipeline reference for scband-string-embeddings-69776038691212 (READ-ONLY COPY).

The authoritative reference and input builder live on the scoring server;
editing this copy changes nothing except your own understanding.
"""

import jax, jax.numpy as jnp
import numpy as np

VOCAB = 1000000
DIM = 64
BATCH = 16384
OOV_RANGE = 1050000  # indices >= VOCAB model out-of-vocabulary words -> zero vector


def setup_inputs(seed: int = 0) -> dict:
    key = jax.random.key(seed)
    k1, k2 = jax.random.split(key)
    # word ids; some fall outside the vocab to emulate OOV words
    words = jax.random.randint(k1, (BATCH,), 0, OOV_RANGE, dtype=jnp.int32)
    # learned word2vec-style embedding table (the KeyedVectors matrix)
    table = jax.random.normal(k2, (VOCAB, DIM), dtype=jnp.float32) * 0.02
    return {"words": words, "table": table}


def reference(words, table):
    # embed_word: if word in model -> model[word] else zeros(vector_size)
    in_vocab = words < VOCAB
    safe_idx = jnp.where(in_vocab, words, 0)
    emb = jnp.take(table, safe_idx, axis=0)
    emb = jnp.where(in_vocab[:, None], emb, jnp.zeros_like(emb))
    return emb

if __name__ == "__main__":
    import jax
    _d = setup_inputs()
    print(jax.jit(kernel)(*tuple(_d.values())))

</pallas_src>

<mosaic_0001>
#map = affine_map<(d0, d1) -> (0)>
#map1 = affine_map<(d0, d1) -> (0, 0, 0)>
#map2 = affine_map<(d0, d1) -> (0, 0)>
module attributes {stable_mosaic.version = 14 : i64} {
  func.func @_sc_embed_body(%arg0: i32, %arg1: i32, %arg2: memref<16384xi32, #tpu.memory_space<hbm>>, %arg3: memref<125000x8x64xf32, #tpu.memory_space<hbm>>, %arg4: memref<16384x64xf32, #tpu.memory_space<hbm>>, %arg5: memref<512xi32, #tpu.memory_space<vmem>>, %arg6: memref<512xi32, #tpu.memory_space<vmem>>, %arg7: memref<512xi32, #tpu.memory_space<vmem>>, %arg8: memref<528xi32, #tpu.memory_space<vmem>>, %arg9: memref<512x64xf32, #tpu.memory_space<vmem>>, %arg10: memref<!tpu.dma_semaphore, #tpu.memory_space<semaphore_mem>>) attributes {dimension_semantics = [#tpu.dimension_semantics<core_parallel>, #tpu.dimension_semantics<subcore_parallel>], iteration_bounds = array<i64: 2, 16>, scalar_prefetch = 0 : i64, scratch_operands = 6 : i64, tpu.core_type = #tpu.core_type<sc_vector_subcore>, window_params = [{transform_indices = #map}, {transform_indices = #map1}, {transform_indices = #map2}]} {
    %mul3A = arith.constant 2 : i32
    %mul3A_0 = arith.muli %arg1, %mul3A : i32
    %add3A = arith.addi %mul3A_0, %arg0 : i32
    %mul3A_1 = arith.constant 512 : i32
    %mul3A_2 = arith.muli %add3A, %mul3A_1 : i32
    "tpu.region"() ({
      %run_scoped3A = tpu.sem_alloc : memref<!tpu.dma_semaphore, #tpu.memory_space<semaphore_mem>>
      %dma_start3A = tpu.memref_slice %arg2[%mul3A_2] : memref<16384xi32, #tpu.memory_space<hbm>> -> memref<512xi32, #tpu.memory_space<hbm>>
      %dma_start3A_55 = tpu.memref_slice %arg2[%mul3A_2] : memref<16384xi32, #tpu.memory_space<hbm>> -> memref<512xi32, #tpu.memory_space<hbm>>
      tpu.enqueue_dma source(%dma_start3A_55 : memref<512xi32, #tpu.memory_space<hbm>>) target(%arg5 : memref<512xi32, #tpu.memory_space<vmem>>) target_semaphore(%run_scoped3A : memref<!tpu.dma_semaphore, #tpu.memory_space<semaphore_mem>>)
      %dma_wait3A = tpu.memref_slice %arg2[%mul3A_2] : memref<16384xi32, #tpu.memory_space<hbm>> -> memref<512xi32, #tpu.memory_space<hbm>>
      %dma_wait3A_56 = tpu.memref_slice %arg2[%mul3A_2] : memref<16384xi32, #tpu.memory_space<hbm>> -> memref<512xi32, #tpu.memory_space<hbm>>
      tpu.wait_dma2 semaphore(%run_scoped3A : memref<!tpu.dma_semaphore, #tpu.memory_space<semaphore_mem>>) src(%dma_wait3A_56 : memref<512xi32, #tpu.memory_space<hbm>>) dst(%arg5 : memref<512xi32, #tpu.memory_space<vmem>>)
      tpu.yield
    }) : () -> ()
    %iota3A = tpu.iota {dimensions = array<i32: 0>} : vector<16xi32>
    %broadcast_in_dim3A = arith.constant 0 : i32
    %broadcast_in_dim3A_3 = vector.broadcast %broadcast_in_dim3A : i32 to vector<16xi32>
    %broadcast_in_dim3A_4 = arith.constant 1 : i32
    %broadcast_in_dim3A_5 = vector.broadcast %broadcast_in_dim3A_4 : i32 to vector<16xi32>
    %scan3A = arith.constant 0 : i32
    %scan3A_6 = arith.constant 0 : i32
    %scan3A_7 = arith.constant 32 : i32
    %scan3A_8 = arith.addi %scan3A_6, %scan3A_7 : i32
    %scan3A_9 = arith.constant 1 : i32
    %scan3A_10 = scf.for %scan3A_55 = %scan3A_6 to %scan3A_8 step %scan3A_9 iter_args(%scan3A_56 = %scan3A) -> (i32)  : i32 {
      %mul3A_57 = arith.constant 16 : i32
      %mul3A_58 = arith.muli %scan3A_55, %mul3A_57 : i32
      %get3A = arith.index_cast %mul3A_58 : i32 to index
      %get3A_59 = tpu.vector_load %arg5[%get3A] {strides = array<i32>} : memref<512xi32, #tpu.memory_space<vmem>>, vector<16xi32>,
      %lt3A = arith.constant 1000000 : i32
      %lt3A_60 = vector.broadcast %lt3A : i32 to vector<16xi32>
      %lt3A_61 = arith.cmpi slt, %get3A_59, %lt3A_60 : vector<16xi32>
      %jit3A_62 = arith.constant 0 : i32
      %broadcast_in_dim3A_63 = vector.broadcast %jit3A_62 : i32 to vector<16xi32>
      %select_n3A_64 = arith.select %lt3A_61, %get3A_59, %broadcast_in_dim3A_63 : vector<16xi1>, vector<16xi32>
      %shift_right_logical3A = arith.constant 3 : i32
      %shift_right_logical3A_65 = vector.broadcast %shift_right_logical3A : i32 to vector<16xi32>
      %shift_right_logical3A_66 = arith.shrui %select_n3A_64, %shift_right_logical3A_65 : vector<16xi32>
      %mul3A_67 = arith.constant 16 : i32
      %mul3A_68 = arith.muli %scan3A_55, %mul3A_67 : i32
      %swap3A = arith.index_cast %mul3A_68 : i32 to index
      %swap3A_69 = tpu.vector_load %arg6[%swap3A] {strides = array<i32>} : memref<512xi32, #tpu.memory_space<vmem>>, vector<16xi32>,
      tpu.vector_store %arg6[%swap3A], %shift_right_logical3A_66 {strides = array<i32>} : memref<512xi32, #tpu.memory_space<vmem>>, vector<16xi32>,
      %and3A_70 = arith.constant 7 : i32
      %and3A_71 = vector.broadcast %and3A_70 : i32 to vector<16xi32>
      %and3A_72 = arith.andi %select_n3A_64, %and3A_71 : vector<16xi32>
      %mul3A_73 = arith.constant 16 : i32
      %mul3A_74 = arith.muli %scan3A_55, %mul3A_73 : i32
      %swap3A_75 = arith.index_cast %mul3A_74 : i32 to index
      %swap3A_76 = tpu.vector_load %arg7[%swap3A_75] {strides = array<i32>} : memref<512xi32, #tpu.memory_space<vmem>>, vector<16xi32>,
      tpu.vector_store %arg7[%swap3A_75], %and3A_72 {strides = array<i32>} : memref<512xi32, #tpu.memory_space<vmem>>, vector<16xi32>,
      %ge3A = arith.constant 1000000 : i32
      %ge3A_77 = vector.broadcast %ge3A : i32 to vector<16xi32>
      %ge3A_78 = arith.cmpi sge, %get3A_59, %ge3A_77 : vector<16xi32>
      %select_n3A_79 = arith.select %lt3A_61, %broadcast_in_dim3A_3, %broadcast_in_dim3A_5 : vector<16xi1>, vector<16xi32>
      %broadcast_in_dim3A_80 = arith.constant true
      %broadcast_in_dim3A_81 = vector.broadcast %broadcast_in_dim3A_80 : i1 to vector<16xi1>
      %masked_cumsum3A = tpu.scan <sum>, %select_n3A_79 masked %broadcast_in_dim3A_81 : vector<16xi32>, vector<16xi1> -> vector<16xi32>
      %broadcast_in_dim3A_82 = vector.broadcast %scan3A_56 : i32 to vector<16xi32>
      %add3A_83 = arith.addi %broadcast_in_dim3A_82, %masked_cumsum3A : vector<16xi32>
      %sub3A_84 = arith.subi %add3A_83, %broadcast_in_dim3A_5 : vector<16xi32>
      %mul3A_85 = arith.constant 16 : i32
      %mul3A_86 = arith.muli %scan3A_55, %mul3A_85 : i32
      %broadcast_in_dim3A_87 = vector.broadcast %mul3A_86 : i32 to vector<16xi32>
      %add3A_88 = arith.addi %iota3A, %broadcast_in_dim3A_87 : vector<16xi32>
      tpu.vector_store_idx %arg8[%sub3A_84], %add3A_88 masked %ge3A_78 : memref<528xi32, #tpu.memory_space<vmem>>[vector<16xi32>], vector<16xi32>, vector<16xi1>
      %reduce_sum3A = arith.constant true
      %reduce_sum3A_89 = vector.broadcast %reduce_sum3A : i1 to vector<16xi1>
      %reduce_sum3A_90 = tpu.scan <sum>, %select_n3A_79 masked %reduce_sum3A_89 : vector<16xi32>, vector<16xi1> -> vector<16xi32>
      %reduce_sum3A_91 = vector.extract %reduce_sum3A_90[15] : i32 from vector<16xi32>
      %add3A_92 = arith.addi %scan3A_56, %reduce_sum3A_91 : i32
      scf.yield %add3A_92 : i32
    }
    %scan3A_11 = arith.constant 32 : i32
    %scan3A_12 = arith.constant 0 : i32
    %scan3A_13 = arith.constant 0 : i32
    %scan3A_14 = arith.constant 32 : i32
    %scan3A_15 = arith.addi %scan3A_13, %scan3A_14 : i32
    %scan3A_16 = arith.constant 1 : i32
    scf.for %scan3A_55 = %scan3A_13 to %scan3A_15 step %scan3A_16  : i32 {
      %mul3A_56 = arith.constant 16 : i32
      %mul3A_57 = arith.muli %scan3A_55, %mul3A_56 : i32
      %get3A = arith.index_cast %mul3A_57 : i32 to index
      %get3A_58 = tpu.vector_load %arg6[%get3A] {strides = array<i32>} : memref<512xi32, #tpu.memory_space<vmem>>, vector<16xi32>,
      %mul3A_59 = arith.constant 16 : i32
      %mul3A_60 = arith.muli %scan3A_55, %mul3A_59 : i32
      %get3A_61 = arith.index_cast %mul3A_60 : i32 to index
      %get3A_62 = tpu.vector_load %arg7[%get3A_61] {strides = array<i32>} : memref<512xi32, #tpu.memory_space<vmem>>, vector<16xi32>,
      %slice3A = vector.extract_strided_slice %get3A_58 {offsets = [0], sizes = [1], strides = [1]} : vector<16xi32> to vector<1xi32>
      %squeeze3A = vector.extract %slice3A[0] : i32 from vector<1xi32>
      %slice3A_63 = vector.extract_strided_slice %get3A_62 {offsets = [0], sizes = [1], strides = [1]} : vector<16xi32> to vector<1xi32>
      %squeeze3A_64 = vector.extract %slice3A_63[0] : i32 from vector<1xi32>
      %mul3A_65 = arith.constant 16 : i32
      %mul3A_66 = arith.muli %scan3A_55, %mul3A_65 : i32
      %add3A_67 = arith.constant 0 : i32
      %add3A_68 = arith.addi %mul3A_66, %add3A_67 : i32
      %dma_start3A = arith.constant 0 : i32
      %dma_start3A_69 = tpu.memref_slice %arg9[%add3A_68, %dma_start3A] : memref<512x64xf32, #tpu.memory_space<vmem>> -> memref<1x64xf32, #tpu.memory_space<vmem>>
      %dma_start3A_70 = tpu.memref_squeeze %dma_start3A_69 : memref<1x64xf32, #tpu.memory_space<vmem>> -> memref<64xf32, #tpu.memory_space<vmem>>
      %dma_start3A_71 = arith.constant 0 : i32
      %dma_start3A_72 = tpu.memref_slice %arg3[%squeeze3A, %squeeze3A_64, %dma_start3A_71] : memref<125000x8x64xf32, #tpu.memory_space<hbm>> -> memref<1x1x64xf32, #tpu.memory_space<hbm>>
      %dma_start3A_73 = tpu.memref_squeeze %dma_start3A_72 : memref<1x1x64xf32, #tpu.memory_space<hbm>> -> memref<64xf32, #tpu.memory_space<hbm>>
      %dma_start3A_74 = arith.constant 0 : i32
      %dma_start3A_75 = tpu.memref_slice %arg9[%add3A_68, %dma_start3A_74] : memref<512x64xf32, #tpu.memory_space<vmem>> -> memref<1x64xf32, #tpu.memory_space<vmem>>
      %dma_start3A_76 = tpu.memref_squeeze %dma_start3A_75 : memref<1x64xf32, #tpu.memory_space<vmem>> -> memref<64xf32, #tpu.memory_space<vmem>>
      %dma_start3A_77 = arith.constant 0 : i32
      %dma_start3A_78 = tpu.memref_slice %arg3[%squeeze3A, %squeeze3A_64, %dma_start3A_77] : memref<125000x8x64xf32, #tpu.memory_space<hbm>> -> memref<1x1x64xf32, #tpu.memory_space<hbm>>
      %dma_start3A_79 = tpu.memref_squeeze %dma_start3A_78 : memref<1x1x64xf32, #tpu.memory_space<hbm>> -> memref<64xf32, #tpu.memory_space<hbm>>
      tpu.enqueue_dma source(%dma_start3A_79 : memref<64xf32, #tpu.memory_space<hbm>>) target(%dma_start3A_76 : memref<64xf32, #tpu.memory_space<vmem>>) target_semaphore(%arg10 : memref<!tpu.dma_semaphore, #tpu.memory_space<semaphore_mem>>)
      %slice3A_80 = vector.extract_strided_slice %get3A_58 {offsets = [1], sizes = [1], strides = [1]} : vector<16xi32> to vector<1xi32>
      %squeeze3A_81 = vector.extract %slice3A_80[0] : i32 from vector<1xi32>
      %slice3A_82 = vector.extract_strided_slice %get3A_62 {offsets = [1], sizes = [1], strides = [1]} : vector<16xi32> to vector<1xi32>
      %squeeze3A_83 = vector.extract %slice3A_82[0] : i32 from vector<1xi32>
      %mul3A_84 = arith.constant 16 : i32
      %mul3A_85 = arith.muli %scan3A_55, %mul3A_84 : i32
      %add3A_86 = arith.constant 1 : i32
      %add3A_87 = arith.addi %mul3A_85, %add3A_86 : i32
      %dma_start3A_88 = arith.constant 0 : i32
      %dma_start3A_89 = tpu.memref_slice %arg9[%add3A_87, %dma_start3A_88] : memref<512x64xf32, #tpu.memory_space<vmem>> -> memref<1x64xf32, #tpu.memory_space<vmem>>
      %dma_start3A_90 = tpu.memref_squeeze %dma_start3A_89 : memref<1x64xf32, #tpu.memory_space<vmem>> -> memref<64xf32, #tpu.memory_space<vmem>>
      %dma_start3A_91 = arith.constant 0 : i32
      %dma_start3A_92 = tpu.memref_slice %arg3[%squeeze3A_81, %squeeze3A_83, %dma_start3A_91] : memref<125000x8x64xf32, #tpu.memory_space<hbm>> -> memref<1x1x64xf32, #tpu.memory_space<hbm>>
      %dma_start3A_93 = tpu.memref_squeeze %dma_start3A_92 : memref<1x1x64xf32, #tpu.memory_space<hbm>> -> memref<64xf32, #tpu.memory_space<hbm>>
      %dma_start3A_94 = arith.constant 0 : i32
      %dma_start3A_95 = tpu.memref_slice %arg9[%add3A_87, %dma_start3A_94] : memref<512x64xf32, #tpu.memory_space<vmem>> -> memref<1x64xf32, #tpu.memory_space<vmem>>
      %dma_start3A_96 = tpu.memref_squeeze %dma_start3A_95 : memref<1x64xf32, #tpu.memory_space<vmem>> -> memref<64xf32, #tpu.memory_space<vmem>>
      %dma_start3A_97 = arith.constant 0 : i32
      %dma_start3A_98 = tpu.memref_slice %arg3[%squeeze3A_81, %squeeze3A_83, %dma_start3A_97] : memref<125000x8x64xf32, #tpu.memory_space<hbm>> -> memref<1x1x64xf32, #tpu.memory_space<hbm>>
      %dma_start3A_99 = tpu.memref_squeeze %dma_start3A_98 : memref<1x1x64xf32, #tpu.memory_space<hbm>> -> memref<64xf32, #tpu.memory_space<hbm>>
      tpu.enqueue_dma source(%dma_start3A_99 : memref<64xf32, #tpu.memory_space<hbm>>) target(%dma_start3A_96 : memref<64xf32, #tpu.memory_space<vmem>>) target_semaphore(%arg10 : memref<!tpu.dma_semaphore, #tpu.memory_space<semaphore_mem>>)
      %slice3A_100 = vector.extract_strided_slice %get3A_58 {offsets = [2], sizes = [1], strides = [1]} : vector<16xi32> to vector<1xi32>
      %squeeze3A_101 = vector.extract %slice3A_100[0] : i32 from vector<1xi32>
      %slice3A_102 = vector.extract_strided_slice %get3A_62 {offsets = [2], sizes = [1], strides = [1]} : vector<16xi32> to vector<1xi32>
      %squeeze3A_103 = vector.extract %slice3A_102[0] : i32 from vector<1xi32>
      %mul3A_104 = arith.constant 16 : i32
      %mul3A_105 = arith.muli %scan3A_55, %mul3A_104 : i32
      %add3A_106 = arith.constant 2 : i32
      %add3A_107 = arith.addi %mul3A_105, %add3A_106 : i32
      %dma_start3A_108 = arith.constant 0 : i32
      %dma_start3A_109 = tpu.memref_slice %arg9[%add3A_107, %dma_start3A_108] : memref<512x64xf32, #tpu.memory_space<vmem>> -> memref<1x64xf32, #tpu.memory_space<vmem>>
      %dma_start3A_110 = tpu.memref_squeeze %dma_start3A_109 : memref<1x64xf32, #tpu.memory_space<vmem>> -> memref<64xf32, #tpu.memory_space<vmem>>
      %dma_start3A_111 = arith.constant 0 : i32
      %dma_start3A_112 = tpu.memref_slice %arg3[%squeeze3A_101, %squeeze3A_103, %dma_start3A_111] : memref<125000x8x64xf32, #tpu.memory_space<hbm>> -> memref<1x1x64xf32, #tpu.memory_space<hbm>>
      %dma_start3A_113 = tpu.memref_squeeze %dma_start3A_112 : memref<1x1x64xf32, #tpu.memory_space<hbm>> -> memref<64xf32, #tpu.memory_space<hbm>>
      %dma_start3A_114 = arith.constant 0 : i32
      %dma_start3A_115 = tpu.memref_slice %arg9[%add3A_107, %dma_start3A_114] : memref<512x64xf32, #tpu.memory_space<vmem>> -> memref<1x64xf32, #tpu.memory_space<vmem>>
      %dma_start3A_116 = tpu.memref_squeeze %dma_start3A_115 : memref<1x64xf32, #tpu.memory_space<vmem>> -> memref<64xf32, #tpu.memory_space<vmem>>
      %dma_start3A_117 = arith.constant 0 : i32
      %dma_start3A_118 = tpu.memref_slice %arg3[%squeeze3A_101, %squeeze3A_103, %dma_start3A_117] : memref<125000x8x64xf32, #tpu.memory_space<hbm>> -> memref<1x1x64xf32, #tpu.memory_space<hbm>>
      %dma_start3A_119 = tpu.memref_squeeze %dma_start3A_118 : memref<1x1x64xf32, #tpu.memory_space<hbm>> -> memref<64xf32, #tpu.memory_space<hbm>>
      tpu.enqueue_dma source(%dma_start3A_119 : memref<64xf32, #tpu.memory_space<hbm>>) target(%dma_start3A_116 : memref<64xf32, #tpu.memory_space<vmem>>) target_semaphore(%arg10 : memref<!tpu.dma_semaphore, #tpu.memory_space<semaphore_mem>>)
      %slice3A_120 = vector.extract_strided_slice %get3A_58 {offsets = [3], sizes = [1], strides = [1]} : vector<16xi32> to vector<1xi32>
      %squeeze3A_121 = vector.extract %slice3A_120[0] : i32 from vector<1xi32>
      %slice3A_122 = vector.extract_strided_slice %get3A_62 {offsets = [3], sizes = [1], strides = [1]} : vector<16xi32> to vector<1xi32>
      %squeeze3A_123 = vector.extract %slice3A_122[0] : i32 from vector<1xi32>
      %mul3A_124 = arith.constant 16 : i32
      %mul3A_125 = arith.muli %scan3A_55, %mul3A_124 : i32
      %add3A_126 = arith.constant 3 : i32
      %add3A_127 = arith.addi %mul3A_125, %add3A_126 : i32
      %dma_start3A_128 = arith.constant 0 : i32
      %dma_start3A_129 = tpu.memref_slice %arg9[%add3A_127, %dma_start3A_128] : memref<512x64xf32, #tpu.memory_space<vmem>> -> memref<1x64xf32, #tpu.memory_space<vmem>>
      %dma_start3A_130 = tpu.memref_squeeze %dma_start3A_129 : memref<1x64xf32, #tpu.memory_space<vmem>> -> memref<64xf32, #tpu.memory_space<vmem>>
      %dma_start3A_131 = arith.constant 0 : i32
      %dma_start3A_132 = tpu.memref_slice %arg3[%squeeze3A_121, %squeeze3A_123, %dma_start3A_131] : memref<125000x8x64xf32, #tpu.memory_space<hbm>> -> memref<1x1x64xf32, #tpu.memory_space<hbm>>
      %dma_start3A_133 = tpu.memref_squeeze %dma_start3A_132 : memref<1x1x64xf32, #tpu.memory_space<hbm>> -> memref<64xf32, #tpu.memory_space<hbm>>
      %dma_start3A_134 = arith.constant 0 : i32
      %dma_start3A_135 = tpu.memref_slice %arg9[%add3A_127, %dma_start3A_134] : memref<512x64xf32, #tpu.memory_space<vmem>> -> memref<1x64xf32, #tpu.memory_space<vmem>>
      %dma_start3A_136 = tpu.memref_squeeze %dma_start3A_135 : memref<1x64xf32, #tpu.memory_space<vmem>> -> memref<64xf32, #tpu.memory_space<vmem>>
      %dma_start3A_137 = arith.constant 0 : i32
      %dma_start3A_138 = tpu.memref_slice %arg3[%squeeze3A_121, %squeeze3A_123, %dma_start3A_137] : memref<125000x8x64xf32, #tpu.memory_space<hbm>> -> memref<1x1x64xf32, #tpu.memory_space<hbm>>
      %dma_start3A_139 = tpu.memref_squeeze %dma_start3A_138 : memref<1x1x64xf32, #tpu.memory_space<hbm>> -> memref<64xf32, #tpu.memory_space<hbm>>
      tpu.enqueue_dma source(%dma_start3A_139 : memref<64xf32, #tpu.memory_space<hbm>>) target(%dma_start3A_136 : memref<64xf32, #tpu.memory_space<vmem>>) target_semaphore(%arg10 : memref<!tpu.dma_semaphore, #tpu.memory_space<semaphore_mem>>)
      %slice3A_140 = vector.extract_strided_slice %get3A_58 {offsets = [4], sizes = [1], strides = [1]} : vector<16xi32> to vector<1xi32>
      %squeeze3A_141 = vector.extract %slice3A_140[0] : i32 from vector<1xi32>
      %slice3A_142 = vector.extract_strided_slice %get3A_62 {offsets = [4], sizes = [1], strides = [1]} : vector<16xi32> to vector<1xi32>
      %squeeze3A_143 = vector.extract %slice3A_142[0] : i32 from vector<1xi32>
      %mul3A_144 = arith.constant 16 : i32
      %mul3A_145 = arith.muli %scan3A_55, %mul3A_144 : i32
      %add3A_146 = arith.constant 4 : i32
      %add3A_147 = arith.addi %mul3A_145, %add3A_146 : i32
      %dma_start3A_148 = arith.constant 0 : i32
      %dma_start3A_149 = tpu.memref_slice %arg9[%add3A_147, %dma_start3A_148] : memref<512x64xf32, #tpu.memory_space<vmem>> -> memref<1x64xf32, #tpu.memory_space<vmem>>
      %dma_start3A_150 = tpu.memref_squeeze %dma_start3A_149 : memref<1x64xf32, #tpu.memory_space<vmem>> -> memref<64xf32, #tpu.memory_space<vmem>>
      %dma_start3A_151 = arith.constant 0 : i32
      %dma_start3A_152 = tpu.memref_slice %arg3[%squeeze3A_141, %squeeze3A_143, %dma_start3A_151] : memref<125000x8x64xf32, #tpu.memory_space<hbm>> -> memref<1x1x64xf32, #tpu.memory_space<hbm>>
      %dma_start3A_153 = tpu.memref_squeeze %dma_start3A_152 : memref<1x1x64xf32, #tpu.memory_space<hbm>> -> memref<64xf32, #tpu.memory_space<hbm>>
      %dma_start3A_154 = arith.constant 0 : i32
      %dma_start3A_155 = tpu.memref_slice %arg9[%add3A_147, %dma_start3A_154] : memref<512x64xf32, #tpu.memory_space<vmem>> -> memref<1x64xf32, #tpu.memory_space<vmem>>
      %dma_start3A_156 = tpu.memref_squeeze %dma_start3A_155 : memref<1x64xf32, #tpu.memory_space<vmem>> -> memref<64xf32, #tpu.memory_space<vmem>>
      %dma_start3A_157 = arith.constant 0 : i32
      %dma_start3A_158 = tpu.memref_slice %arg3[%squeeze3A_141, %squeeze3A_143, %dma_start3A_157] : memref<125000x8x64xf32, #tpu.memory_space<hbm>> -> memref<1x1x64xf32, #tpu.memory_space<hbm>>
      %dma_start3A_159 = tpu.memref_squeeze %dma_start3A_158 : memref<1x1x64xf32, #tpu.memory_space<hbm>> -> memref<64xf32, #tpu.memory_space<hbm>>
      tpu.enqueue_dma source(%dma_start3A_159 : memref<64xf32, #tpu.memory_space<hbm>>) target(%dma_start3A_156 : memref<64xf32, #tpu.memory_space<vmem>>) target_semaphore(%arg10 : memref<!tpu.dma_semaphore, #tpu.memory_space<semaphore_mem>>)
      %slice3A_160 = vector.extract_strided_slice %get3A_58 {offsets = [5], sizes = [1], strides = [1]} : vector<16xi32> to vector<1xi32>
      %squeeze3A_161 = vector.extract %slice3A_160[0] : i32 from vector<1xi32>
      %slice3A_162 = vector.extract_strided_slice %get3A_62 {offsets = [5], sizes = [1], strides = [1]} : vector<16xi32> to vector<1xi32>
      %squeeze3A_163 = vector.extract %slice3A_162[0] : i32 from vector<1xi32>
      %mul3A_164 = arith.constant 16 : i32
      %mul3A_165 = arith.muli %scan3A_55, %mul3A_164 : i32
      %add3A_166 = arith.constant 5 : i32
      %add3A_167 = arith.addi %mul3A_165, %add3A_166 : i32
      %dma_start3A_168 = arith.constant 0 : i32
      %dma_start3A_169 = tpu.memref_slice %arg9[%add3A_167, %dma_start3A_168] : memref<512x64xf32, #tpu.memory_space<vmem>> -> memref<1x64xf32, #tpu.memory_space<vmem>>
      %dma_start3A_170 = tpu.memref_squeeze %dma_start3A_169 : memref<1x64xf32, #tpu.memory_space<vmem>> -> memref<64xf32, #tpu.memory_space<vmem>>
      %dma_start3A_171 = arith.constant 0 : i32
      %dma_start3A_172 = tpu.memref_slice %arg3[%squeeze3A_161, %squeeze3A_163, %dma_start3A_171] : memref<125000x8x64xf32, #tpu.memory_space<hbm>> -> memref<1x1x64xf32, #tpu.memory_space<hbm>>
      %dma_start3A_173 = tpu.memref_squeeze %dma_start3A_172 : memref<1x1x64xf32, #tpu.memory_space<hbm>> -> memref<64xf32, #tpu.memory_space<hbm>>
      %dma_start3A_174 = arith.constant 0 : i32
      %dma_start3A_175 = tpu.memref_slice %arg9[%add3A_167, %dma_start3A_174] : memref<512x64xf32, #tpu.memory_space<vmem>> -> memref<1x64xf32, #tpu.memory_space<vmem>>
      %dma_start3A_176 = tpu.memref_squeeze %dma_start3A_175 : memref<1x64xf32, #tpu.memory_space<vmem>> -> memref<64xf32, #tpu.memory_space<vmem>>
      %dma_start3A_177 = arith.constant 0 : i32
      %dma_start3A_178 = tpu.memref_slice %arg3[%squeeze3A_161, %squeeze3A_163, %dma_start3A_177] : memref<125000x8x64xf32, #tpu.memory_space<hbm>> -> memref<1x1x64xf32, #tpu.memory_space<hbm>>
      %dma_start3A_179 = tpu.memref_squeeze %dma_start3A_178 : memref<1x1x64xf32, #tpu.memory_space<hbm>> -> memref<64xf32, #tpu.memory_space<hbm>>
      tpu.enqueue_dma source(%dma_start3A_179 : memref<64xf32, #tpu.memory_space<hbm>>) target(%dma_start3A_176 : memref<64xf32, #tpu.memory_space<vmem>>) target_semaphore(%arg10 : memref<!tpu.dma_semaphore, #tpu.memory_space<semaphore_mem>>)
      %slice3A_180 = vector.extract_strided_slice %get3A_58 {offsets = [6], sizes = [1], strides = [1]} : vector<16xi32> to vector<1xi32>
      %squeeze3A_181 = vector.extract %slice3A_180[0] : i32 from vector<1xi32>
      %slice3A_182 = vector.extract_strided_slice %get3A_62 {offsets = [6], sizes = [1], strides = [1]} : vector<16xi32> to vector<1xi32>
      %squeeze3A_183 = vector.extract %slice3A_182[0] : i32 from vector<1xi32>
      %mul3A_184 = arith.constant 16 : i32
      %mul3A_185 = arith.muli %scan3A_55, %mul3A_184 : i32
      %add3A_186 = arith.constant 6 : i32
      %add3A_187 = arith.addi %mul3A_185, %add3A_186 : i32
      %dma_start3A_188 = arith.constant 0 : i32
      %dma_start3A_189 = tpu.memref_slice %arg9[%add3A_187, %dma_start3A_188] : memref<512x64xf32, #tpu.memory_space<vmem>> -> memref<1x64xf32, #tpu.memory_space<vmem>>
      %dma_start3A_190 = tpu.memref_squeeze %dma_start3A_189 : memref<1x64xf32, #tpu.memory_space<vmem>> -> memref<64xf32, #tpu.memory_space<vmem>>
      %dma_start3A_191 = arith.constant 0 : i32
      %dma_start3A_192 = tpu.memref_slice %arg3[%squeeze3A_181, %squeeze3A_183, %dma_start3A_191] : memref<125000x8x64xf32, #tpu.memory_space<hbm>> -> memref<1x1x64xf32, #tpu.memory_space<hbm>>
      %dma_start3A_193 = tpu.memref_squeeze %dma_start3A_192 : memref<1x1x64xf32, #tpu.memory_space<hbm>> -> memref<64xf32, #tpu.memory_space<hbm>>
      %dma_start3A_194 = arith.constant 0 : i32
      %dma_start3A_195 = tpu.memref_slice %arg9[%add3A_187, %dma_start3A_194] : memref<512x64xf32, #tpu.memory_space<vmem>> -> memref<1x64xf32, #tpu.memory_space<vmem>>
      %dma_start3A_196 = tpu.memref_squeeze %dma_start3A_195 : memref<1x64xf32, #tpu.memory_space<vmem>> -> memref<64xf32, #tpu.memory_space<vmem>>
      %dma_start3A_197 = arith.constant 0 : i32
      %dma_start3A_198 = tpu.memref_slice %arg3[%squeeze3A_181, %squeeze3A_183, %dma_start3A_197] : memref<125000x8x64xf32, #tpu.memory_space<hbm>> -> memref<1x1x64xf32, #tpu.memory_space<hbm>>
      %dma_start3A_199 = tpu.memref_squeeze %dma_start3A_198 : memref<1x1x64xf32, #tpu.memory_space<hbm>> -> memref<64xf32, #tpu.memory_space<hbm>>
      tpu.enqueue_dma source(%dma_start3A_199 : memref<64xf32, #tpu.memory_space<hbm>>) target(%dma_start3A_196 : memref<64xf32, #tpu.memory_space<vmem>>) target_semaphore(%arg10 : memref<!tpu.dma_semaphore, #tpu.memory_space<semaphore_mem>>)
      %slice3A_200 = vector.extract_strided_slice %get3A_58 {offsets = [7], sizes = [1], strides = [1]} : vector<16xi32> to vector<1xi32>
      %squeeze3A_201 = vector.extract %slice3A_200[0] : i32 from vector<1xi32>
      %slice3A_202 = vector.extract_strided_slice %get3A_62 {offsets = [7], sizes = [1], strides = [1]} : vector<16xi32> to vector<1xi32>
      %squeeze3A_203 = vector.extract %slice3A_202[0] : i32 from vector<1xi32>
      %mul3A_204 = arith.constant 16 : i32
      %mul3A_205 = arith.muli %scan3A_55, %mul3A_204 : i32
      %add3A_206 = arith.constant 7 : i32
      %add3A_207 = arith.addi %mul3A_205, %add3A_206 : i32
      %dma_start3A_208 = arith.constant 0 : i32
      %dma_start3A_209 = tpu.memref_slice %arg9[%add3A_207, %dma_start3A_208] : memref<512x64xf32, #tpu.memory_space<vmem>> -> memref<1x64xf32, #tpu.memory_space<vmem>>
      %dma_start3A_210 = tpu.memref_squeeze %dma_start3A_209 : memref<1x64xf32, #tpu.memory_space<vmem>> -> memref<64xf32, #tpu.memory_space<vmem>>
      %dma_start3A_211 = arith.constant 0 : i32
      %dma_start3A_212 = tpu.memref_slice %arg3[%squeeze3A_201, %squeeze3A_203, %dma_start3A_211] : memref<125000x8x64xf32, #tpu.memory_space<hbm>> -> memref<1x1x64xf32, #tpu.memory_space<hbm>>
      %dma_start3A_213 = tpu.memref_squeeze %dma_start3A_212 : memref<1x1x64xf32, #tpu.memory_space<hbm>> -> memref<64xf32, #tpu.memory_space<hbm>>
      %dma_start3A_214 = arith.constant 0 : i32
      %dma_start3A_215 = tpu.memref_slice %arg9[%add3A_207, %dma_start3A_214] : memref<512x64xf32, #tpu.memory_space<vmem>> -> memref<1x64xf32, #tpu.memory_space<vmem>>
      %dma_start3A_216 = tpu.memref_squeeze %dma_start3A_215 : memref<1x64xf32, #tpu.memory_space<vmem>> -> memref<64xf32, #tpu.memory_space<vmem>>
      %dma_start3A_217 = arith.constant 0 : i32
      %dma_start3A_218 = tpu.memref_slice %arg3[%squeeze3A_201, %squeeze3A_203, %dma_start3A_217] : memref<125000x8x64xf32, #tpu.memory_space<hbm>> -> memref<1x1x64xf32, #tpu.memory_space<hbm>>
      %dma_start3A_219 = tpu.memref_squeeze %dma_start3A_218 : memref<1x1x64xf32, #tpu.memory_space<hbm>> -> memref<64xf32, #tpu.memory_space<hbm>>
      tpu.enqueue_dma source(%dma_start3A_219 : memref<64xf32, #tpu.memory_space<hbm>>) target(%dma_start3A_216 : memref<64xf32, #tpu.memory_space<vmem>>) target_semaphore(%arg10 : memref<!tpu.dma_semaphore, #tpu.memory_space<semaphore_mem>>)
      %slice3A_220 = vector.extract_strided_slice %get3A_58 {offsets = [8], sizes = [1], strides = [1]} : vector<16xi32> to vector<1xi32>
      %squeeze3A_221 = vector.extract %slice3A_220[0] : i32 from vector<1xi32>
      %slice3A_222 = vector.extract_strided_slice %get3A_62 {offsets = [8], sizes = [1], strides = [1]} : vector<16xi32> to vector<1xi32>
      %squeeze3A_223 = vector.extract %slice3A_222[0] : i32 from vector<1xi32>
      %mul3A_224 = arith.constant 16 : i32
      %mul3A_225 = arith.muli %scan3A_55, %mul3A_224 : i32
      %add3A_226 = arith.constant 8 : i32
      %add3A_227 = arith.addi %mul3A_225, %add3A_226 : i32
      %dma_start3A_228 = arith.constant 0 : i32
      %dma_start3A_229 = tpu.memref_slice %arg9[%add3A_227, %dma_start3A_228] : memref<512x64xf32, #tpu.memory_space<vmem>> -> memref<1x64xf32, #tpu.memory_space<vmem>>
      %dma_start3A_230 = tpu.memref_squeeze %dma_start3A_229 : memref<1x64xf32, #tpu.memory_space<vmem>> -> memref<64xf32, #tpu.memory_space<vmem>>
      %dma_start3A_231 = arith.constant 0 : i32
      %dma_start3A_232 = tpu.memref_slice %arg3[%squeeze3A_221, %squeeze3A_223, %dma_start3A_231] : memref<125000x8x64xf32, #tpu.memory_space<hbm>> -> memref<1x1x64xf32, #tpu.memory_space<hbm>>
      %dma_start3A_233 = tpu.memref_squeeze %dma_start3A_232 : memref<1x1x64xf32, #tpu.memory_space<hbm>> -> memref<64xf32, #tpu.memory_space<hbm>>
      %dma_start3A_234 = arith.constant 0 : i32
      %dma_start3A_235 = tpu.memref_slice %arg9[%add3A_227, %dma_start3A_234] : memref<512x64xf32, #tpu.memory_space<vmem>> -> memref<1x64xf32, #tpu.memory_space<vmem>>
      %dma_start3A_236 = tpu.memref_squeeze %dma_start3A_235 : memref<1x64xf32, #tpu.memory_space<vmem>> -> memref<64xf32, #tpu.memory_space<vmem>>
      %dma_start3A_237 = arith.constant 0 : i32
      %dma_start3A_238 = tpu.memref_slice %arg3[%squeeze3A_221, %squeeze3A_223, %dma_start3A_237] : memref<125000x8x64xf32, #tpu.memory_space<hbm>> -> memref<1x1x64xf32, #tpu.memory_space<hbm>>
      %dma_start3A_239 = tpu.memref_squeeze %dma_start3A_238 : memref<1x1x64xf32, #tpu.memory_space<hbm>> -> memref<64xf32, #tpu.memory_space<hbm>>
      tpu.enqueue_dma source(%dma_start3A_239 : memref<64xf32, #tpu.memory_space<hbm>>) target(%dma_start3A_236 : memref<64xf32, #tpu.memory_space<vmem>>) target_semaphore(%arg10 : memref<!tpu.dma_semaphore, #tpu.memory_space<semaphore_mem>>)
      %slice3A_240 = vector.extract_strided_slice %get3A_58 {offsets = [9], sizes = [1], strides = [1]} : vector<16xi32> to vector<1xi32>
      %squeeze3A_241 = vector.extract %slice3A_240[0] : i32 from vector<1xi32>
      %slice3A_242 = vector.extract_strided_slice %get3A_62 {offsets = [9], sizes = [1], strides = [1]} : vector<16xi32> to vector<1xi32>
      %squeeze3A_243 = vector.extract %slice3A_242[0] : i32 from vector<1xi32>
      %mul3A_244 = arith.constant 16 : i32
      %mul3A_245 = arith.muli %scan3A_55, %mul3A_244 : i32
      %add3A_246 = arith.constant 9 : i32
      %add3A_247 = arith.addi %mul3A_245, %add3A_246 : i32
      %dma_start3A_248 = arith.constant 0 : i32
      %dma_start3A_249 = tpu.memref_slice %arg9[%add3A_247, %dma_start3A_248] : memref<512x64xf32, #tpu.memory_space<vmem>> -> memref<1x64xf32, #tpu.memory_space<vmem>>
      %dma_start3A_250 = tpu.memref_squeeze %dma_start3A_249 : memref<1x64xf32, #tpu.memory_space<vmem>> -> memref<64xf32, #tpu.memory_space<vmem>>
      %dma_start3A_251 = arith.constant 0 : i32
      %dma_start3A_252 = tpu.memref_slice %arg3[%squeeze3A_241, %squeeze3A_243, %dma_start3A_251] : memref<125000x8x64xf32, #tpu.memory_space<hbm>> -> memref<1x1x64xf32, #tpu.memory_space<hbm>>
      %dma_start3A_253 = tpu.memref_squeeze %dma_start3A_252 : memref<1x1x64xf32, #tpu.memory_space<hbm>> -> memref<64xf32, #tpu.memory_space<hbm>>
      %dma_start3A_254 = arith.constant 0 : i32
      %dma_start3A_255 = tpu.memref_slice %arg9[%add3A_247, %dma_start3A_254] : memref<512x64xf32, #tpu.memory_space<vmem>> -> memref<1x64xf32, #tpu.memory_space<vmem>>
      %dma_start3A_256 = tpu.memref_squeeze %dma_start3A_255 : memref<1x64xf32, #tpu.memory_space<vmem>> -> memref<64xf32, #tpu.memory_space<vmem>>
      %dma_start3A_257 = arith.constant 0 : i32
      %dma_start3A_258 = tpu.memref_slice %arg3[%squeeze3A_241, %squeeze3A_243, %dma_start3A_257] : memref<125000x8x64xf32, #tpu.memory_space<hbm>> -> memref<1x1x64xf32, #tpu.memory_space<hbm>>
      %dma_start3A_259 = tpu.memref_squeeze %dma_start3A_258 : memref<1x1x64xf32, #tpu.memory_space<hbm>> -> memref<64xf32, #tpu.memory_space<hbm>>
      tpu.enqueue_dma source(%dma_start3A_259 : memref<64xf32, #tpu.memory_space<hbm>>) target(%dma_start3A_256 : memref<64xf32, #tpu.memory_space<vmem>>) target_semaphore(%arg10 : memref<!tpu.dma_semaphore, #tpu.memory_space<semaphore_mem>>)
      %slice3A_260 = vector.extract_strided_slice %get3A_58 {offsets = [10], sizes = [1], strides = [1]} : vector<16xi32> to vector<1xi32>
      %squeeze3A_261 = vector.extract %slice3A_260[0] : i32 from vector<1xi32>
      %slice3A_262 = vector.extract_strided_slice %get3A_62 {offsets = [10], sizes = [1], strides = [1]} : vector<16xi32> to vector<1xi32>
      %squeeze3A_263 = vector.extract %slice3A_262[0] : i32 from vector<1xi32>
      %mul3A_264 = arith.constant 16 : i32
      %mul3A_265 = arith.muli %scan3A_55, %mul3A_264 : i32
      %add3A_266 = arith.constant 10 : i32
      %add3A_267 = arith.addi %mul3A_265, %add3A_266 : i32
      %dma_start3A_268 = arith.constant 0 : i32
      %dma_start3A_269 = tpu.memref_slice %arg9[%add3A_267, %dma_start3A_268] : memref<512x64xf32, #tpu.memory_space<vmem>> -> memref<1x64xf32, #tpu.memory_space<vmem>>
      %dma_start3A_270 = tpu.memref_squeeze %dma_start3A_269 : memref<1x64xf32, #tpu.memory_space<vmem>> -> memref<64xf32, #tpu.memory_space<vmem>>
      %dma_start3A_271 = arith.constant 0 : i32
      %dma_start3A_272 = tpu.memref_slice %arg3[%squeeze3A_261, %squeeze3A_263, %dma_start3A_271] : memref<125000x8x64xf32, #tpu.memory_space<hbm>> -> memref<1x1x64xf32, #tpu.memory_space<hbm>>
      %dma_start3A_273 = tpu.memref_squeeze %dma_start3A_272 : memref<1x1x64xf32, #tpu.memory_space<hbm>> -> memref<64xf32, #tpu.memory_space<hbm>>
      %dma_start3A_274 = arith.constant 0 : i32
      %dma_start3A_275 = tpu.memref_slice %arg9[%add3A_267, %dma_start3A_274] : memref<512x64xf32, #tpu.memory_space<vmem>> -> memref<1x64xf32, #tpu.memory_space<vmem>>
      %dma_start3A_276 = tpu.memref_squeeze %dma_start3A_275 : memref<1x64xf32, #tpu.memory_space<vmem>> -> memref<64xf32, #tpu.memory_space<vmem>>
      %dma_start3A_277 = arith.constant 0 : i32
      %dma_start3A_278 = tpu.memref_slice %arg3[%squeeze3A_261, %squeeze3A_263, %dma_start3A_277] : memref<125000x8x64xf32, #tpu.memory_space<hbm>> -> memref<1x1x64xf32, #tpu.memory_space<hbm>>
      %dma_start3A_279 = tpu.memref_squeeze %dma_start3A_278 : memref<1x1x64xf32, #tpu.memory_space<hbm>> -> memref<64xf32, #tpu.memory_space<hbm>>
      tpu.enqueue_dma source(%dma_start3A_279 : memref<64xf32, #tpu.memory_space<hbm>>) target(%dma_start3A_276 : memref<64xf32, #tpu.memory_space<vmem>>) target_semaphore(%arg10 : memref<!tpu.dma_semaphore, #tpu.memory_space<semaphore_mem>>)
      %slice3A_280 = vector.extract_strided_slice %get3A_58 {offsets = [11], sizes = [1], strides = [1]} : vector<16xi32> to vector<1xi32>
      %squeeze3A_281 = vector.extract %slice3A_280[0] : i32 from vector<1xi32>
      %slice3A_282 = vector.extract_strided_slice %get3A_62 {offsets = [11], sizes = [1], strides = [1]} : vector<16xi32> to vector<1xi32>
      %squeeze3A_283 = vector.extract %slice3A_282[0] : i32 from vector<1xi32>
      %mul3A_284 = arith.constant 16 : i32
      %mul3A_285 = arith.muli %scan3A_55, %mul3A_284 : i32
      %add3A_286 = arith.constant 11 : i32
      %add3A_287 = arith.addi %mul3A_285, %add3A_286 : i32
      %dma_start3A_288 = arith.constant 0 : i32
      %dma_start3A_289 = tpu.memref_slice %arg9[%add3A_287, %dma_start3A_288] : memref<512x64xf32, #tpu.memory_space<vmem>> -> memref<1x64xf32, #tpu.memory_space<vmem>>
      %dma_start3A_290 = tpu.memref_squeeze %dma_start3A_289 : memref<1x64xf32, #tpu.memory_space<vmem>> -> memref<64xf32, #tpu.memory_space<vmem>>
      %dma_start3A_291 = arith.constant 0 : i32
      %dma_start3A_292 = tpu.memref_slice %arg3[%squeeze3A_281, %squeeze3A_283, %dma_start3A_291] : memref<125000x8x64xf32, #tpu.memory_space<hbm>> -> memref<1x1x64xf32, #tpu.memory_space<hbm>>
      %dma_start3A_293 = tpu.memref_squeeze %dma_start3A_292 : memref<1x1x64xf32, #tpu.memory_space<hbm>> -> memref<64xf32, #tpu.memory_space<hbm>>
      %dma_start3A_294 = arith.constant 0 : i32
      %dma_start3A_295 = tpu.memref_slice %arg9[%add3A_287, %dma_start3A_294] : memref<512x64xf32, #tpu.memory_space<vmem>> -> memref<1x64xf32, #tpu.memory_space<vmem>>
      %dma_start3A_296 = tpu.memref_squeeze %dma_start3A_295 : memref<1x64xf32, #tpu.memory_space<vmem>> -> memref<64xf32, #tpu.memory_space<vmem>>
      %dma_start3A_297 = arith.constant 0 : i32
      %dma_start3A_298 = tpu.memref_slice %arg3[%squeeze3A_281, %squeeze3A_283, %dma_start3A_297] : memref<125000x8x64xf32, #tpu.memory_space<hbm>> -> memref<1x1x64xf32, #tpu.memory_space<hbm>>
      %dma_start3A_299 = tpu.memref_squeeze %dma_start3A_298 : memref<1x1x64xf32, #tpu.memory_space<hbm>> -> memref<64xf32, #tpu.memory_space<hbm>>
      tpu.enqueue_dma source(%dma_start3A_299 : memref<64xf32, #tpu.memory_space<hbm>>) target(%dma_start3A_296 : memref<64xf32, #tpu.memory_space<vmem>>) target_semaphore(%arg10 : memref<!tpu.dma_semaphore, #tpu.memory_space<semaphore_mem>>)
      %slice3A_300 = vector.extract_strided_slice %get3A_58 {offsets = [12], sizes = [1], strides = [1]} : vector<16xi32> to vector<1xi32>
      %squeeze3A_301 = vector.extract %slice3A_300[0] : i32 from vector<1xi32>
      %slice3A_302 = vector.extract_strided_slice %get3A_62 {offsets = [12], sizes = [1], strides = [1]} : vector<16xi32> to vector<1xi32>
      %squeeze3A_303 = vector.extract %slice3A_302[0] : i32 from vector<1xi32>
      %mul3A_304 = arith.constant 16 : i32
      %mul3A_305 = arith.muli %scan3A_55, %mul3A_304 : i32
      %add3A_306 = arith.constant 12 : i32
      %add3A_307 = arith.addi %mul3A_305, %add3A_306 : i32
      %dma_start3A_308 = arith.constant 0 : i32
      %dma_start3A_309 = tpu.memref_slice %arg9[%add3A_307, %dma_start3A_308] : memref<512x64xf32, #tpu.memory_space<vmem>> -> memref<1x64xf32, #tpu.memory_space<vmem>>
      %dma_start3A_310 = tpu.memref_squeeze %dma_start3A_309 : memref<1x64xf32, #tpu.memory_space<vmem>> -> memref<64xf32, #tpu.memory_space<vmem>>
      %dma_start3A_311 = arith.constant 0 : i32
      %dma_start3A_312 = tpu.memref_slice %arg3[%squeeze3A_301, %squeeze3A_303, %dma_start3A_311] : memref<125000x8x64xf32, #tpu.memory_space<hbm>> -> memref<1x1x64xf32, #tpu.memory_space<hbm>>
      %dma_start3A_313 = tpu.memref_squeeze %dma_start3A_312 : memref<1x1x64xf32, #tpu.memory_space<hbm>> -> memref<64xf32, #tpu.memory_space<hbm>>
      %dma_start3A_314 = arith.constant 0 : i32
      %dma_start3A_315 = tpu.memref_slice %arg9[%add3A_307, %dma_start3A_314] : memref<512x64xf32, #tpu.memory_space<vmem>> -> memref<1x64xf32, #tpu.memory_space<vmem>>
      %dma_start3A_316 = tpu.memref_squeeze %dma_start3A_315 : memref<1x64xf32, #tpu.memory_space<vmem>> -> memref<64xf32, #tpu.memory_space<vmem>>
      %dma_start3A_317 = arith.constant 0 : i32
      %dma_start3A_318 = tpu.memref_slice %arg3[%squeeze3A_301, %squeeze3A_303, %dma_start3A_317] : memref<125000x8x64xf32, #tpu.memory_space<hbm>> -> memref<1x1x64xf32, #tpu.memory_space<hbm>>
      %dma_start3A_319 = tpu.memref_squeeze %dma_start3A_318 : memref<1x1x64xf32, #tpu.memory_space<hbm>> -> memref<64xf32, #tpu.memory_space<hbm>>
      tpu.enqueue_dma source(%dma_start3A_319 : memref<64xf32, #tpu.memory_space<hbm>>) target(%dma_start3A_316 : memref<64xf32, #tpu.memory_space<vmem>>) target_semaphore(%arg10 : memref<!tpu.dma_semaphore, #tpu.memory_space<semaphore_mem>>)
      %slice3A_320 = vector.extract_strided_slice %get3A_58 {offsets = [13], sizes = [1], strides = [1]} : vector<16xi32> to vector<1xi32>
      %squeeze3A_321 = vector.extract %slice3A_320[0] : i32 from vector<1xi32>
      %slice3A_322 = vector.extract_strided_slice %get3A_62 {offsets = [13], sizes = [1], strides = [1]} : vector<16xi32> to vector<1xi32>
      %squeeze3A_323 = vector.extract %slice3A_322[0] : i32 from vector<1xi32>
      %mul3A_324 = arith.constant 16 : i32
      %mul3A_325 = arith.muli %scan3A_55, %mul3A_324 : i32
      %add3A_326 = arith.constant 13 : i32
      %add3A_327 = arith.addi %mul3A_325, %add3A_326 : i32
      %dma_start3A_328 = arith.constant 0 : i32
      %dma_start3A_329 = tpu.memref_slice %arg9[%add3A_327, %dma_start3A_328] : memref<512x64xf32, #tpu.memory_space<vmem>> -> memref<1x64xf32, #tpu.memory_space<vmem>>
      %dma_start3A_330 = tpu.memref_squeeze %dma_start3A_329 : memref<1x64xf32, #tpu.memory_space<vmem>> -> memref<64xf32, #tpu.memory_space<vmem>>
      %dma_start3A_331 = arith.constant 0 : i32
      %dma_start3A_332 = tpu.memref_slice %arg3[%squeeze3A_321, %squeeze3A_323, %dma_start3A_331] : memref<125000x8x64xf32, #tpu.memory_space<hbm>> -> memref<1x1x64xf32, #tpu.memory_space<hbm>>
      %dma_start3A_333 = tpu.memref_squeeze %dma_start3A_332 : memref<1x1x64xf32, #tpu.memory_space<hbm>> -> memref<64xf32, #tpu.memory_space<hbm>>
      %dma_start3A_334 = arith.constant 0 : i32
      %dma_start3A_335 = tpu.memref_slice %arg9[%add3A_327, %dma_start3A_334] : memref<512x64xf32, #tpu.memory_space<vmem>> -> memref<1x64xf32, #tpu.memory_space<vmem>>
      %dma_start3A_336 = tpu.memref_squeeze %dma_start3A_335 : memref<1x64xf32, #tpu.memory_space<vmem>> -> memref<64xf32, #tpu.memory_space<vmem>>
      %dma_start3A_337 = arith.constant 0 : i32
      %dma_start3A_338 = tpu.memref_slice %arg3[%squeeze3A_321, %squeeze3A_323, %dma_start3A_337] : memref<125000x8x64xf32, #tpu.memory_space<hbm>> -> memref<1x1x64xf32, #tpu.memory_space<hbm>>
      %dma_start3A_339 = tpu.memref_squeeze %dma_start3A_338 : memref<1x1x64xf32, #tpu.memory_space<hbm>> -> memref<64xf32, #tpu.memory_space<hbm>>
      tpu.enqueue_dma source(%dma_start3A_339 : memref<64xf32, #tpu.memory_space<hbm>>) target(%dma_start3A_336 : memref<64xf32, #tpu.memory_space<vmem>>) target_semaphore(%arg10 : memref<!tpu.dma_semaphore, #tpu.memory_space<semaphore_mem>>)
      %slice3A_340 = vector.extract_strided_slice %get3A_58 {offsets = [14], sizes = [1], strides = [1]} : vector<16xi32> to vector<1xi32>
      %squeeze3A_341 = vector.extract %slice3A_340[0] : i32 from vector<1xi32>
      %slice3A_342 = vector.extract_strided_slice %get3A_62 {offsets = [14], sizes = [1], strides = [1]} : vector<16xi32> to vector<1xi32>
      %squeeze3A_343 = vector.extract %slice3A_342[0] : i32 from vector<1xi32>
      %mul3A_344 = arith.constant 16 : i32
      %mul3A_345 = arith.muli %scan3A_55, %mul3A_344 : i32
      %add3A_346 = arith.constant 14 : i32
      %add3A_347 = arith.addi %mul3A_345, %add3A_346 : i32
      %dma_start3A_348 = arith.constant 0 : i32
      %dma_start3A_349 = tpu.memref_slice %arg9[%add3A_347, %dma_start3A_348] : memref<512x64xf32, #tpu.memory_space<vmem>> -> memref<1x64xf32, #tpu.memory_space<vmem>>
      %dma_start3A_350 = tpu.memref_squeeze %dma_start3A_349 : memref<1x64xf32, #tpu.memory_space<vmem>> -> memref<64xf32, #tpu.memory_space<vmem>>
      %dma_start3A_351 = arith.constant 0 : i32
      %dma_start3A_352 = tpu.memref_slice %arg3[%squeeze3A_341, %squeeze3A_343, %dma_start3A_351] : memref<125000x8x64xf32, #tpu.memory_space<hbm>> -> memref<1x1x64xf32, #tpu.memory_space<hbm>>
      %dma_start3A_353 = tpu.memref_squeeze %dma_start3A_352 : memref<1x1x64xf32, #tpu.memory_space<hbm>> -> memref<64xf32, #tpu.memory_space<hbm>>
      %dma_start3A_354 = arith.constant 0 : i32
      %dma_start3A_355 = tpu.memref_slice %arg9[%add3A_347, %dma_start3A_354] : memref<512x64xf32, #tpu.memory_space<vmem>> -> memref<1x64xf32, #tpu.memory_space<vmem>>
      %dma_start3A_356 = tpu.memref_squeeze %dma_start3A_355 : memref<1x64xf32, #tpu.memory_space<vmem>> -> memref<64xf32, #tpu.memory_space<vmem>>
      %dma_start3A_357 = arith.constant 0 : i32
      %dma_start3A_358 = tpu.memref_slice %arg3[%squeeze3A_341, %squeeze3A_343, %dma_start3A_357] : memref<125000x8x64xf32, #tpu.memory_space<hbm>> -> memref<1x1x64xf32, #tpu.memory_space<hbm>>
      %dma_start3A_359 = tpu.memref_squeeze %dma_start3A_358 : memref<1x1x64xf32, #tpu.memory_space<hbm>> -> memref<64xf32, #tpu.memory_space<hbm>>
      tpu.enqueue_dma source(%dma_start3A_359 : memref<64xf32, #tpu.memory_space<hbm>>) target(%dma_start3A_356 : memref<64xf32, #tpu.memory_space<vmem>>) target_semaphore(%arg10 : memref<!tpu.dma_semaphore, #tpu.memory_space<semaphore_mem>>)
      %slice3A_360 = vector.extract_strided_slice %get3A_58 {offsets = [15], sizes = [1], strides = [1]} : vector<16xi32> to vector<1xi32>
      %squeeze3A_361 = vector.extract %slice3A_360[0] : i32 from vector<1xi32>
      %slice3A_362 = vector.extract_strided_slice %get3A_62 {offsets = [15], sizes = [1], strides = [1]} : vector<16xi32> to vector<1xi32>
      %squeeze3A_363 = vector.extract %slice3A_362[0] : i32 from vector<1xi32>
      %mul3A_364 = arith.constant 16 : i32
      %mul3A_365 = arith.muli %scan3A_55, %mul3A_364 : i32
      %add3A_366 = arith.constant 15 : i32
      %add3A_367 = arith.addi %mul3A_365, %add3A_366 : i32
      %dma_start3A_368 = arith.constant 0 : i32
      %dma_start3A_369 = tpu.memref_slice %arg9[%add3A_367, %dma_start3A_368] : memref<512x64xf32, #tpu.memory_space<vmem>> -> memref<1x64xf32, #tpu.memory_space<vmem>>
      %dma_start3A_370 = tpu.memref_squeeze %dma_start3A_369 : memref<1x64xf32, #tpu.memory_space<vmem>> -> memref<64xf32, #tpu.memory_space<vmem>>
      %dma_start3A_371 = arith.constant 0 : i32
      %dma_start3A_372 = tpu.memref_slice %arg3[%squeeze3A_361, %squeeze3A_363, %dma_start3A_371] : memref<125000x8x64xf32, #tpu.memory_space<hbm>> -> memref<1x1x64xf32, #tpu.memory_space<hbm>>
      %dma_start3A_373 = tpu.memref_squeeze %dma_start3A_372 : memref<1x1x64xf32, #tpu.memory_space<hbm>> -> memref<64xf32, #tpu.memory_space<hbm>>
      %dma_start3A_374 = arith.constant 0 : i32
      %dma_start3A_375 = tpu.memref_slice %arg9[%add3A_367, %dma_start3A_374] : memref<512x64xf32, #tpu.memory_space<vmem>> -> memref<1x64xf32, #tpu.memory_space<vmem>>
      %dma_start3A_376 = tpu.memref_squeeze %dma_start3A_375 : memref<1x64xf32, #tpu.memory_space<vmem>> -> memref<64xf32, #tpu.memory_space<vmem>>
      %dma_start3A_377 = arith.constant 0 : i32
      %dma_start3A_378 = tpu.memref_slice %arg3[%squeeze3A_361, %squeeze3A_363, %dma_start3A_377] : memref<125000x8x64xf32, #tpu.memory_space<hbm>> -> memref<1x1x64xf32, #tpu.memory_space<hbm>>
      %dma_start3A_379 = tpu.memref_squeeze %dma_start3A_378 : memref<1x1x64xf32, #tpu.memory_space<hbm>> -> memref<64xf32, #tpu.memory_space<hbm>>
      tpu.enqueue_dma source(%dma_start3A_379 : memref<64xf32, #tpu.memory_space<hbm>>) target(%dma_start3A_376 : memref<64xf32, #tpu.memory_space<vmem>>) target_semaphore(%arg10 : memref<!tpu.dma_semaphore, #tpu.memory_space<semaphore_mem>>)
    }
    %scan3A_17 = arith.constant 32 : i32
    %scan3A_18 = arith.constant 0 : i32
    %scan3A_19 = arith.constant 0 : i32
    %scan3A_20 = arith.constant 512 : i32
    %scan3A_21 = arith.addi %scan3A_19, %scan3A_20 : i32
    %scan3A_22 = arith.constant 1 : i32
    scf.for %scan3A_55 = %scan3A_19 to %scan3A_21 step %scan3A_22  : i32 {
      %dma_wait3A = arith.constant 0 : i32
      %dma_wait3A_56 = arith.constant 0 : i32
      %dma_wait3A_57 = arith.constant 0 : i32
      %dma_wait3A_58 = arith.constant 0 : i32
      %dma_wait3A_59 = tpu.memref_slice %arg9[%dma_wait3A_57, %dma_wait3A_58] : memref<512x64xf32, #tpu.memory_space<vmem>> -> memref<1x64xf32, #tpu.memory_space<vmem>>
      %dma_wait3A_60 = tpu.memref_squeeze %dma_wait3A_59 : memref<1x64xf32, #tpu.memory_space<vmem>> -> memref<64xf32, #tpu.memory_space<vmem>>
      %dma_wait3A_61 = arith.constant 0 : i32
      %dma_wait3A_62 = tpu.memref_slice %arg3[%dma_wait3A, %dma_wait3A_56, %dma_wait3A_61] : memref<125000x8x64xf32, #tpu.memory_space<hbm>> -> memref<1x1x64xf32, #tpu.memory_space<hbm>>
      %dma_wait3A_63 = tpu.memref_squeeze %dma_wait3A_62 : memref<1x1x64xf32, #tpu.memory_space<hbm>> -> memref<64xf32, #tpu.memory_space<hbm>>
      %dma_wait3A_64 = arith.constant 0 : i32
      %dma_wait3A_65 = tpu.memref_slice %arg9[%dma_wait3A_57, %dma_wait3A_64] : memref<512x64xf32, #tpu.memory_space<vmem>> -> memref<1x64xf32, #tpu.memory_space<vmem>>
      %dma_wait3A_66 = tpu.memref_squeeze %dma_wait3A_65 : memref<1x64xf32, #tpu.memory_space<vmem>> -> memref<64xf32, #tpu.memory_space<vmem>>
      %dma_wait3A_67 = arith.constant 0 : i32
      %dma_wait3A_68 = tpu.memref_slice %arg3[%dma_wait3A, %dma_wait3A_56, %dma_wait3A_67] : memref<125000x8x64xf32, #tpu.memory_space<hbm>> -> memref<1x1x64xf32, #tpu.memory_space<hbm>>
      %dma_wait3A_69 = tpu.memref_squeeze %dma_wait3A_68 : memref<1x1x64xf32, #tpu.memory_space<hbm>> -> memref<64xf32, #tpu.memory_space<hbm>>
      tpu.wait_dma2 semaphore(%arg10 : memref<!tpu.dma_semaphore, #tpu.memory_space<semaphore_mem>>) src(%dma_wait3A_69 : memref<64xf32, #tpu.memory_space<hbm>>) dst(%dma_wait3A_66 : memref<64xf32, #tpu.memory_space<vmem>>)
    }
    %scan3A_23 = arith.constant 512 : i32
    %broadcast_in_dim3A_24 = arith.constant 0.000000e+00 : f32
    %broadcast_in_dim3A_25 = vector.broadcast %broadcast_in_dim3A_24 : f32 to vector<16xf32>
    %add3A_26 = arith.constant 16 : i32
    %add3A_27 = arith.addi %scan3A_10, %add3A_26 : i32
    %sub3A = arith.constant 1 : i32
    %sub3A_28 = arith.subi %add3A_27, %sub3A : i32
    %jit3A = arith.constant 16 : i32
    %div3A = arith.divsi %sub3A_28, %jit3A : i32
    %sign3A = arith.constant 0 : i32
    %sign3A_29 = arith.cmpi sgt, %sub3A_28, %sign3A : i32
    %sign3A_30 = arith.extui %sign3A_29 : i1 to i32
    %sign3A_31 = arith.constant 0 : i32
    %sign3A_32 = arith.cmpi slt, %sub3A_28, %sign3A_31 : i32
    %sign3A_33 = arith.extui %sign3A_32 : i1 to i32
    %sign3A_34 = arith.subi %sign3A_30, %sign3A_33 : i32
    %sign3A_35 = arith.constant 0 : i32
    %sign3A_36 = arith.cmpi sgt, %jit3A, %sign3A_35 : i32
    %sign3A_37 = arith.extui %sign3A_36 : i1 to i32
    %sign3A_38 = arith.constant 0 : i32
    %sign3A_39 = arith.cmpi slt, %jit3A, %sign3A_38 : i32
    %sign3A_40 = arith.extui %sign3A_39 : i1 to i32
    %sign3A_41 = arith.subi %sign3A_37, %sign3A_40 : i32
    %ne3A = arith.cmpi ne, %sign3A_34, %sign3A_41 : i32
    %rem3A = arith.remsi %sub3A_28, %jit3A : i32
    %ne3A_42 = arith.constant 0 : i32
    %ne3A_43 = arith.cmpi ne, %rem3A, %ne3A_42 : i32
    %and3A = arith.andi %ne3A, %ne3A_43 : i1
    %sub3A_44 = arith.constant 1 : i32
    %sub3A_45 = arith.subi %div3A, %sub3A_44 : i32
    %select_n3A = arith.select %and3A, %sub3A_45, %div3A : i32
    %while3A = arith.constant 0 : i32
    %while3A_46 = arith.constant 0 : i32
    %while3A_47 = arith.subi %select_n3A, %while3A_46 : i32
    %while3A_48 = arith.addi %while3A_46, %while3A_47 : i32
    %while3A_49 = arith.constant 1 : i32
    %while3A_50 = arith.divsi %while3A_47, %while3A_49 : i32
    %while3A_51 = arith.muli %while3A_50, %while3A_49 : i32
    %while3A_52 = arith.addi %while3A_46, %while3A_51 : i32
    %while3A_53 = arith.constant 1 : i32
    scf.for %while3A_55 = %while3A_46 to %while3A_52 step %while3A_53  : i32 {
      %mul3A_56 = arith.constant 16 : i32
      %mul3A_57 = arith.muli %while3A_55, %mul3A_56 : i32
      %get3A = arith.index_cast %mul3A_57 : i32 to index
      %get3A_58 = tpu.vector_load %arg8[%get3A] {strides = array<i32>} : memref<528xi32, #tpu.memory_space<vmem>>, vector<16xi32>,
      %mul3A_59 = arith.constant 16 : i32
      %mul3A_60 = arith.muli %while3A_55, %mul3A_59 : i32
      %broadcast_in_dim3A_61 = vector.broadcast %mul3A_60 : i32 to vector<16xi32>
      %add3A_62 = arith.addi %iota3A, %broadcast_in_dim3A_61 : vector<16xi32>
      %broadcast_in_dim3A_63 = vector.broadcast %scan3A_10 : i32 to vector<16xi32>
      %lt3A = arith.cmpi slt, %add3A_62, %broadcast_in_dim3A_63 : vector<16xi32>
      %broadcast_in_dim3A_64 = arith.constant 0 : i32
      %broadcast_in_dim3A_65 = vector.broadcast %broadcast_in_dim3A_64 : i32 to vector<16xi32>
      tpu.vector_store_idx %arg9[%get3A_58, %broadcast_in_dim3A_65], %broadcast_in_dim3A_25 masked %lt3A : memref<512x64xf32, #tpu.memory_space<vmem>>[vector<16xi32>, vector<16xi32>], vector<16xf32>, vector<16xi1>
      %broadcast_in_dim3A_66 = arith.constant 1 : i32
      %broadcast_in_dim3A_67 = vector.broadcast %broadcast_in_dim3A_66 : i32 to vector<16xi32>
      tpu.vector_store_idx %arg9[%get3A_58, %broadcast_in_dim3A_67], %broadcast_in_dim3A_25 masked %lt3A : memref<512x64xf32, #tpu.memory_space<vmem>>[vector<16xi32>, vector<16xi32>], vector<16xf32>, vector<16xi1>
      %broadcast_in_dim3A_68 = arith.constant 2 : i32
      %broadcast_in_dim3A_69 = vector.broadcast %broadcast_in_dim3A_68 : i32 to vector<16xi32>
      tpu.vector_store_idx %arg9[%get3A_58, %broadcast_in_dim3A_69], %broadcast_in_dim3A_25 masked %lt3A : memref<512x64xf32, #tpu.memory_space<vmem>>[vector<16xi32>, vector<16xi32>], vector<16xf32>, vector<16xi1>
      %broadcast_in_dim3A_70 = arith.constant 3 : i32
      %broadcast_in_dim3A_71 = vector.broadcast %broadcast_in_dim3A_70 : i32 to vector<16xi32>
      tpu.vector_store_idx %arg9[%get3A_58, %broadcast_in_dim3A_71], %broadcast_in_dim3A_25 masked %lt3A : memref<512x64xf32, #tpu.memory_space<vmem>>[vector<16xi32>, vector<16xi32>], vector<16xf32>, vector<16xi1>
      %broadcast_in_dim3A_72 = arith.constant 4 : i32
      %broadcast_in_dim3A_73 = vector.broadcast %broadcast_in_dim3A_72 : i32 to vector<16xi32>
      tpu.vector_store_idx %arg9[%get3A_58, %broadcast_in_dim3A_73], %broadcast_in_dim3A_25 masked %lt3A : memref<512x64xf32, #tpu.memory_space<vmem>>[vector<16xi32>, vector<16xi32>], vector<16xf32>, vector<16xi1>
      %broadcast_in_dim3A_74 = arith.constant 5 : i32
      %broadcast_in_dim3A_75 = vector.broadcast %broadcast_in_dim3A_74 : i32 to vector<16xi32>
      tpu.vector_store_idx %arg9[%get3A_58, %broadcast_in_dim3A_75], %broadcast_in_dim3A_25 masked %lt3A : memref<512x64xf32, #tpu.memory_space<vmem>>[vector<16xi32>, vector<16xi32>], vector<16xf32>, vector<16xi1>
      %broadcast_in_dim3A_76 = arith.constant 6 : i32
      %broadcast_in_dim3A_77 = vector.broadcast %broadcast_in_dim3A_76 : i32 to vector<16xi32>
      tpu.vector_store_idx %arg9[%get3A_58, %broadcast_in_dim3A_77], %broadcast_in_dim3A_25 masked %lt3A : memref<512x64xf32, #tpu.memory_space<vmem>>[vector<16xi32>, vector<16xi32>], vector<16xf32>, vector<16xi1>
      %broadcast_in_dim3A_78 = arith.constant 7 : i32
      %broadcast_in_dim3A_79 = vector.broadcast %broadcast_in_dim3A_78 : i32 to vector<16xi32>
      tpu.vector_store_idx %arg9[%get3A_58, %broadcast_in_dim3A_79], %broadcast_in_dim3A_25 masked %lt3A : memref<512x64xf32, #tpu.memory_space<vmem>>[vector<16xi32>, vector<16xi32>], vector<16xf32>, vector<16xi1>
      %broadcast_in_dim3A_80 = arith.constant 8 : i32
      %broadcast_in_dim3A_81 = vector.broadcast %broadcast_in_dim3A_80 : i32 to vector<16xi32>
      tpu.vector_store_idx %arg9[%get3A_58, %broadcast_in_dim3A_81], %broadcast_in_dim3A_25 masked %lt3A : memref<512x64xf32, #tpu.memory_space<vmem>>[vector<16xi32>, vector<16xi32>], vector<16xf32>, vector<16xi1>
      %broadcast_in_dim3A_82 = arith.constant 9 : i32
      %broadcast_in_dim3A_83 = vector.broadcast %broadcast_in_dim3A_82 : i32 to vector<16xi32>
      tpu.vector_store_idx %arg9[%get3A_58, %broadcast_in_dim3A_83], %broadcast_in_dim3A_25 masked %lt3A : memref<512x64xf32, #tpu.memory_space<vmem>>[vector<16xi32>, vector<16xi32>], vector<16xf32>, vector<16xi1>
      %broadcast_in_dim3A_84 = arith.constant 10 : i32
      %broadcast_in_dim3A_85 = vector.broadcast %broadcast_in_dim3A_84 : i32 to vector<16xi32>
      tpu.vector_store_idx %arg9[%get3A_58, %broadcast_in_dim3A_85], %broadcast_in_dim3A_25 masked %lt3A : memref<512x64xf32, #tpu.memory_space<vmem>>[vector<16xi32>, vector<16xi32>], vector<16xf32>, vector<16xi1>
      %broadcast_in_dim3A_86 = arith.constant 11 : i32
      %broadcast_in_dim3A_87 = vector.broadcast %broadcast_in_dim3A_86 : i32 to vector<16xi32>
      tpu.vector_store_idx %arg9[%get3A_58, %broadcast_in_dim3A_87], %broadcast_in_dim3A_25 masked %lt3A : memref<512x64xf32, #tpu.memory_space<vmem>>[vector<16xi32>, vector<16xi32>], vector<16xf32>, vector<16xi1>
      %broadcast_in_dim3A_88 = arith.constant 12 : i32
      %broadcast_in_dim3A_89 = vector.broadcast %broadcast_in_dim3A_88 : i32 to vector<16xi32>
      tpu.vector_store_idx %arg9[%get3A_58, %broadcast_in_dim3A_89], %broadcast_in_dim3A_25 masked %lt3A : memref<512x64xf32, #tpu.memory_space<vmem>>[vector<16xi32>, vector<16xi32>], vector<16xf32>, vector<16xi1>
      %broadcast_in_dim3A_90 = arith.constant 13 : i32
      %broadcast_in_dim3A_91 = vector.broadcast %broadcast_in_dim3A_90 : i32 to vector<16xi32>
      tpu.vector_store_idx %arg9[%get3A_58, %broadcast_in_dim3A_91], %broadcast_in_dim3A_25 masked %lt3A : memref<512x64xf32, #tpu.memory_space<vmem>>[vector<16xi32>, vector<16xi32>], vector<16xf32>, vector<16xi1>
      %broadcast_in_dim3A_92 = arith.constant 14 : i32
      %broadcast_in_dim3A_93 = vector.broadcast %broadcast_in_dim3A_92 : i32 to vector<16xi32>
      tpu.vector_store_idx %arg9[%get3A_58, %broadcast_in_dim3A_93], %broadcast_in_dim3A_25 masked %lt3A : memref<512x64xf32, #tpu.memory_space<vmem>>[vector<16xi32>, vector<16xi32>], vector<16xf32>, vector<16xi1>
      %broadcast_in_dim3A_94 = arith.constant 15 : i32
      %broadcast_in_dim3A_95 = vector.broadcast %broadcast_in_dim3A_94 : i32 to vector<16xi32>
      tpu.vector_store_idx %arg9[%get3A_58, %broadcast_in_dim3A_95], %broadcast_in_dim3A_25 masked %lt3A : memref<512x64xf32, #tpu.memory_space<vmem>>[vector<16xi32>, vector<16xi32>], vector<16xf32>, vector<16xi1>
      %broadcast_in_dim3A_96 = arith.constant 16 : i32
      %broadcast_in_dim3A_97 = vector.broadcast %broadcast_in_dim3A_96 : i32 to vector<16xi32>
      tpu.vector_store_idx %arg9[%get3A_58, %broadcast_in_dim3A_97], %broadcast_in_dim3A_25 masked %lt3A : memref<512x64xf32, #tpu.memory_space<vmem>>[vector<16xi32>, vector<16xi32>], vector<16xf32>, vector<16xi1>
      %broadcast_in_dim3A_98 = arith.constant 17 : i32
      %broadcast_in_dim3A_99 = vector.broadcast %broadcast_in_dim3A_98 : i32 to vector<16xi32>
      tpu.vector_store_idx %arg9[%get3A_58, %broadcast_in_dim3A_99], %broadcast_in_dim3A_25 masked %lt3A : memref<512x64xf32, #tpu.memory_space<vmem>>[vector<16xi32>, vector<16xi32>], vector<16xf32>, vector<16xi1>
      %broadcast_in_dim3A_100 = arith.constant 18 : i32
      %broadcast_in_dim3A_101 = vector.broadcast %broadcast_in_dim3A_100 : i32 to vector<16xi32>
      tpu.vector_store_idx %arg9[%get3A_58, %broadcast_in_dim3A_101], %broadcast_in_dim3A_25 masked %lt3A : memref<512x64xf32, #tpu.memory_space<vmem>>[vector<16xi32>, vector<16xi32>], vector<16xf32>, vector<16xi1>
      %broadcast_in_dim3A_102 = arith.constant 19 : i32
      %broadcast_in_dim3A_103 = vector.broadcast %broadcast_in_dim3A_102 : i32 to vector<16xi32>
      tpu.vector_store_idx %arg9[%get3A_58, %broadcast_in_dim3A_103], %broadcast_in_dim3A_25 masked %lt3A : memref<512x64xf32, #tpu.memory_space<vmem>>[vector<16xi32>, vector<16xi32>], vector<16xf32>, vector<16xi1>
      %broadcast_in_dim3A_104 = arith.constant 20 : i32
      %broadcast_in_dim3A_105 = vector.broadcast %broadcast_in_dim3A_104 : i32 to vector<16xi32>
      tpu.vector_store_idx %arg9[%get3A_58, %broadcast_in_dim3A_105], %broadcast_in_dim3A_25 masked %lt3A : memref<512x64xf32, #tpu.memory_space<vmem>>[vector<16xi32>, vector<16xi32>], vector<16xf32>, vector<16xi1>
      %broadcast_in_dim3A_106 = arith.constant 21 : i32
      %broadcast_in_dim3A_107 = vector.broadcast %broadcast_in_dim3A_106 : i32 to vector<16xi32>
      tpu.vector_store_idx %arg9[%get3A_58, %broadcast_in_dim3A_107], %broadcast_in_dim3A_25 masked %lt3A : memref<512x64xf32, #tpu.memory_space<vmem>>[vector<16xi32>, vector<16xi32>], vector<16xf32>, vector<16xi1>
      %broadcast_in_dim3A_108 = arith.constant 22 : i32
      %broadcast_in_dim3A_109 = vector.broadcast %broadcast_in_dim3A_108 : i32 to vector<16xi32>
      tpu.vector_store_idx %arg9[%get3A_58, %broadcast_in_dim3A_109], %broadcast_in_dim3A_25 masked %lt3A : memref<512x64xf32, #tpu.memory_space<vmem>>[vector<16xi32>, vector<16xi32>], vector<16xf32>, vector<16xi1>
      %broadcast_in_dim3A_110 = arith.constant 23 : i32
      %broadcast_in_dim3A_111 = vector.broadcast %broadcast_in_dim3A_110 : i32 to vector<16xi32>
      tpu.vector_store_idx %arg9[%get3A_58, %broadcast_in_dim3A_111], %broadcast_in_dim3A_25 masked %lt3A : memref<512x64xf32, #tpu.memory_space<vmem>>[vector<16xi32>, vector<16xi32>], vector<16xf32>, vector<16xi1>
      %broadcast_in_dim3A_112 = arith.constant 24 : i32
      %broadcast_in_dim3A_113 = vector.broadcast %broadcast_in_dim3A_112 : i32 to vector<16xi32>
      tpu.vector_store_idx %arg9[%get3A_58, %broadcast_in_dim3A_113], %broadcast_in_dim3A_25 masked %lt3A : memref<512x64xf32, #tpu.memory_space<vmem>>[vector<16xi32>, vector<16xi32>], vector<16xf32>, vector<16xi1>
      %broadcast_in_dim3A_114 = arith.constant 25 : i32
      %broadcast_in_dim3A_115 = vector.broadcast %broadcast_in_dim3A_114 : i32 to vector<16xi32>
      tpu.vector_store_idx %arg9[%get3A_58, %broadcast_in_dim3A_115], %broadcast_in_dim3A_25 masked %lt3A : memref<512x64xf32, #tpu.memory_space<vmem>>[vector<16xi32>, vector<16xi32>], vector<16xf32>, vector<16xi1>
      %broadcast_in_dim3A_116 = arith.constant 26 : i32
      %broadcast_in_dim3A_117 = vector.broadcast %broadcast_in_dim3A_116 : i32 to vector<16xi32>
      tpu.vector_store_idx %arg9[%get3A_58, %broadcast_in_dim3A_117], %broadcast_in_dim3A_25 masked %lt3A : memref<512x64xf32, #tpu.memory_space<vmem>>[vector<16xi32>, vector<16xi32>], vector<16xf32>, vector<16xi1>
      %broadcast_in_dim3A_118 = arith.constant 27 : i32
      %broadcast_in_dim3A_119 = vector.broadcast %broadcast_in_dim3A_118 : i32 to vector<16xi32>
      tpu.vector_store_idx %arg9[%get3A_58, %broadcast_in_dim3A_119], %broadcast_in_dim3A_25 masked %lt3A : memref<512x64xf32, #tpu.memory_space<vmem>>[vector<16xi32>, vector<16xi32>], vector<16xf32>, vector<16xi1>
      %broadcast_in_dim3A_120 = arith.constant 28 : i32
      %broadcast_in_dim3A_121 = vector.broadcast %broadcast_in_dim3A_120 : i32 to vector<16xi32>
      tpu.vector_store_idx %arg9[%get3A_58, %broadcast_in_dim3A_121], %broadcast_in_dim3A_25 masked %lt3A : memref<512x64xf32, #tpu.memory_space<vmem>>[vector<16xi32>, vector<16xi32>], vector<16xf32>, vector<16xi1>
      %broadcast_in_dim3A_122 = arith.constant 29 : i32
      %broadcast_in_dim3A_123 = vector.broadcast %broadcast_in_dim3A_122 : i32 to vector<16xi32>
      tpu.vector_store_idx %arg9[%get3A_58, %broadcast_in_dim3A_123], %broadcast_in_dim3A_25 masked %lt3A : memref<512x64xf32, #tpu.memory_space<vmem>>[vector<16xi32>, vector<16xi32>], vector<16xf32>, vector<16xi1>
      %broadcast_in_dim3A_124 = arith.constant 30 : i32
      %broadcast_in_dim3A_125 = vector.broadcast %broadcast_in_dim3A_124 : i32 to vector<16xi32>
      tpu.vector_store_idx %arg9[%get3A_58, %broadcast_in_dim3A_125], %broadcast_in_dim3A_25 masked %lt3A : memref<512x64xf32, #tpu.memory_space<vmem>>[vector<16xi32>, vector<16xi32>], vector<16xf32>, vector<16xi1>
      %broadcast_in_dim3A_126 = arith.constant 31 : i32
      %broadcast_in_dim3A_127 = vector.broadcast %broadcast_in_dim3A_126 : i32 to vector<16xi32>
      tpu.vector_store_idx %arg9[%get3A_58, %broadcast_in_dim3A_127], %broadcast_in_dim3A_25 masked %lt3A : memref<512x64xf32, #tpu.memory_space<vmem>>[vector<16xi32>, vector<16xi32>], vector<16xf32>, vector<16xi1>
      %broadcast_in_dim3A_128 = arith.constant 32 : i32
      %broadcast_in_dim3A_129 = vector.broadcast %broadcast_in_dim3A_128 : i32 to vector<16xi32>
      tpu.vector_store_idx %arg9[%get3A_58, %broadcast_in_dim3A_129], %broadcast_in_dim3A_25 masked %lt3A : memref<512x64xf32, #tpu.memory_space<vmem>>[vector<16xi32>, vector<16xi32>], vector<16xf32>, vector<16xi1>
      %broadcast_in_dim3A_130 = arith.constant 33 : i32
      %broadcast_in_dim3A_131 = vector.broadcast %broadcast_in_dim3A_130 : i32 to vector<16xi32>
      tpu.vector_store_idx %arg9[%get3A_58, %broadcast_in_dim3A_131], %broadcast_in_dim3A_25 masked %lt3A : memref<512x64xf32, #tpu.memory_space<vmem>>[vector<16xi32>, vector<16xi32>], vector<16xf32>, vector<16xi1>
      %broadcast_in_dim3A_132 = arith.constant 34 : i32
      %broadcast_in_dim3A_133 = vector.broadcast %broadcast_in_dim3A_132 : i32 to vector<16xi32>
      tpu.vector_store_idx %arg9[%get3A_58, %broadcast_in_dim3A_133], %broadcast_in_dim3A_25 masked %lt3A : memref<512x64xf32, #tpu.memory_space<vmem>>[vector<16xi32>, vector<16xi32>], vector<16xf32>, vector<16xi1>
      %broadcast_in_dim3A_134 = arith.constant 35 : i32
      %broadcast_in_dim3A_135 = vector.broadcast %broadcast_in_dim3A_134 : i32 to vector<16xi32>
      tpu.vector_store_idx %arg9[%get3A_58, %broadcast_in_dim3A_135], %broadcast_in_dim3A_25 masked %lt3A : memref<512x64xf32, #tpu.memory_space<vmem>>[vector<16xi32>, vector<16xi32>], vector<16xf32>, vector<16xi1>
      %broadcast_in_dim3A_136 = arith.constant 36 : i32
      %broadcast_in_dim3A_137 = vector.broadcast %broadcast_in_dim3A_136 : i32 to vector<16xi32>
      tpu.vector_store_idx %arg9[%get3A_58, %broadcast_in_dim3A_137], %broadcast_in_dim3A_25 masked %lt3A : memref<512x64xf32, #tpu.memory_space<vmem>>[vector<16xi32>, vector<16xi32>], vector<16xf32>, vector<16xi1>
      %broadcast_in_dim3A_138 = arith.constant 37 : i32
      %broadcast_in_dim3A_139 = vector.broadcast %broadcast_in_dim3A_138 : i32 to vector<16xi32>
      tpu.vector_store_idx %arg9[%get3A_58, %broadcast_in_dim3A_139], %broadcast_in_dim3A_25 masked %lt3A : memref<512x64xf32, #tpu.memory_space<vmem>>[vector<16xi32>, vector<16xi32>], vector<16xf32>, vector<16xi1>
      %broadcast_in_dim3A_140 = arith.constant 38 : i32
      %broadcast_in_dim3A_141 = vector.broadcast %broadcast_in_dim3A_140 : i32 to vector<16xi32>
      tpu.vector_store_idx %arg9[%get3A_58, %broadcast_in_dim3A_141], %broadcast_in_dim3A_25 masked %lt3A : memref<512x64xf32, #tpu.memory_space<vmem>>[vector<16xi32>, vector<16xi32>], vector<16xf32>, vector<16xi1>
      %broadcast_in_dim3A_142 = arith.constant 39 : i32
      %broadcast_in_dim3A_143 = vector.broadcast %broadcast_in_dim3A_142 : i32 to vector<16xi32>
      tpu.vector_store_idx %arg9[%get3A_58, %broadcast_in_dim3A_143], %broadcast_in_dim3A_25 masked %lt3A : memref<512x64xf32, #tpu.memory_space<vmem>>[vector<16xi32>, vector<16xi32>], vector<16xf32>, vector<16xi1>
      %broadcast_in_dim3A_144 = arith.constant 40 : i32
      %broadcast_in_dim3A_145 = vector.broadcast %broadcast_in_dim3A_144 : i32 to vector<16xi32>
      tpu.vector_store_idx %arg9[%get3A_58, %broadcast_in_dim3A_145], %broadcast_in_dim3A_25 masked %lt3A : memref<512x64xf32, #tpu.memory_space<vmem>>[vector<16xi32>, vector<16xi32>], vector<16xf32>, vector<16xi1>
      %broadcast_in_dim3A_146 = arith.constant 41 : i32
      %broadcast_in_dim3A_147 = vector.broadcast %broadcast_in_dim3A_146 : i32 to vector<16xi32>
      tpu.vector_store_idx %arg9[%get3A_58, %broadcast_in_dim3A_147], %broadcast_in_dim3A_25 masked %lt3A : memref<512x64xf32, #tpu.memory_space<vmem>>[vector<16xi32>, vector<16xi32>], vector<16xf32>, vector<16xi1>
      %broadcast_in_dim3A_148 = arith.constant 42 : i32
      %broadcast_in_dim3A_149 = vector.broadcast %broadcast_in_dim3A_148 : i32 to vector<16xi32>
      tpu.vector_store_idx %arg9[%get3A_58, %broadcast_in_dim3A_149], %broadcast_in_dim3A_25 masked %lt3A : memref<512x64xf32, #tpu.memory_space<vmem>>[vector<16xi32>, vector<16xi32>], vector<16xf32>, vector<16xi1>
      %broadcast_in_dim3A_150 = arith.constant 43 : i32
      %broadcast_in_dim3A_151 = vector.broadcast %broadcast_in_dim3A_150 : i32 to vector<16xi32>
      tpu.vector_store_idx %arg9[%get3A_58, %broadcast_in_dim3A_151], %broadcast_in_dim3A_25 masked %lt3A : memref<512x64xf32, #tpu.memory_space<vmem>>[vector<16xi32>, vector<16xi32>], vector<16xf32>, vector<16xi1>
      %broadcast_in_dim3A_152 = arith.constant 44 : i32
      %broadcast_in_dim3A_153 = vector.broadcast %broadcast_in_dim3A_152 : i32 to vector<16xi32>
      tpu.vector_store_idx %arg9[%get3A_58, %broadcast_in_dim3A_153], %broadcast_in_dim3A_25 masked %lt3A : memref<512x64xf32, #tpu.memory_space<vmem>>[vector<16xi32>, vector<16xi32>], vector<16xf32>, vector<16xi1>
      %broadcast_in_dim3A_154 = arith.constant 45 : i32
      %broadcast_in_dim3A_155 = vector.broadcast %broadcast_in_dim3A_154 : i32 to vector<16xi32>
      tpu.vector_store_idx %arg9[%get3A_58, %broadcast_in_dim3A_155], %broadcast_in_dim3A_25 masked %lt3A : memref<512x64xf32, #tpu.memory_space<vmem>>[vector<16xi32>, vector<16xi32>], vector<16xf32>, vector<16xi1>
      %broadcast_in_dim3A_156 = arith.constant 46 : i32
      %broadcast_in_dim3A_157 = vector.broadcast %broadcast_in_dim3A_156 : i32 to vector<16xi32>
      tpu.vector_store_idx %arg9[%get3A_58, %broadcast_in_dim3A_157], %broadcast_in_dim3A_25 masked %lt3A : memref<512x64xf32, #tpu.memory_space<vmem>>[vector<16xi32>, vector<16xi32>], vector<16xf32>, vector<16xi1>
      %broadcast_in_dim3A_158 = arith.constant 47 : i32
      %broadcast_in_dim3A_159 = vector.broadcast %broadcast_in_dim3A_158 : i32 to vector<16xi32>
      tpu.vector_store_idx %arg9[%get3A_58, %broadcast_in_dim3A_159], %broadcast_in_dim3A_25 masked %lt3A : memref<512x64xf32, #tpu.memory_space<vmem>>[vector<16xi32>, vector<16xi32>], vector<16xf32>, vector<16xi1>
      %broadcast_in_dim3A_160 = arith.constant 48 : i32
      %broadcast_in_dim3A_161 = vector.broadcast %broadcast_in_dim3A_160 : i32 to vector<16xi32>
      tpu.vector_store_idx %arg9[%get3A_58, %broadcast_in_dim3A_161], %broadcast_in_dim3A_25 masked %lt3A : memref<512x64xf32, #tpu.memory_space<vmem>>[vector<16xi32>, vector<16xi32>], vector<16xf32>, vector<16xi1>
      %broadcast_in_dim3A_162 = arith.constant 49 : i32
      %broadcast_in_dim3A_163 = vector.broadcast %broadcast_in_dim3A_162 : i32 to vector<16xi32>
      tpu.vector_store_idx %arg9[%get3A_58, %broadcast_in_dim3A_163], %broadcast_in_dim3A_25 masked %lt3A : memref<512x64xf32, #tpu.memory_space<vmem>>[vector<16xi32>, vector<16xi32>], vector<16xf32>, vector<16xi1>
      %broadcast_in_dim3A_164 = arith.constant 50 : i32
      %broadcast_in_dim3A_165 = vector.broadcast %broadcast_in_dim3A_164 : i32 to vector<16xi32>
      tpu.vector_store_idx %arg9[%get3A_58, %broadcast_in_dim3A_165], %broadcast_in_dim3A_25 masked %lt3A : memref<512x64xf32, #tpu.memory_space<vmem>>[vector<16xi32>, vector<16xi32>], vector<16xf32>, vector<16xi1>
      %broadcast_in_dim3A_166 = arith.constant 51 : i32
      %broadcast_in_dim3A_167 = vector.broadcast %broadcast_in_dim3A_166 : i32 to vector<16xi32>
      tpu.vector_store_idx %arg9[%get3A_58, %broadcast_in_dim3A_167], %broadcast_in_dim3A_25 masked %lt3A : memref<512x64xf32, #tpu.memory_space<vmem>>[vector<16xi32>, vector<16xi32>], vector<16xf32>, vector<16xi1>
      %broadcast_in_dim3A_168 = arith.constant 52 : i32
      %broadcast_in_dim3A_169 = vector.broadcast %broadcast_in_dim3A_168 : i32 to vector<16xi32>
      tpu.vector_store_idx %arg9[%get3A_58, %broadcast_in_dim3A_169], %broadcast_in_dim3A_25 masked %lt3A : memref<512x64xf32, #tpu.memory_space<vmem>>[vector<16xi32>, vector<16xi32>], vector<16xf32>, vector<16xi1>
      %broadcast_in_dim3A_170 = arith.constant 53 : i32
      %broadcast_in_dim3A_171 = vector.broadcast %broadcast_in_dim3A_170 : i32 to vector<16xi32>
      tpu.vector_store_idx %arg9[%get3A_58, %broadcast_in_dim3A_171], %broadcast_in_dim3A_25 masked %lt3A : memref<512x64xf32, #tpu.memory_space<vmem>>[vector<16xi32>, vector<16xi32>], vector<16xf32>, vector<16xi1>
      %broadcast_in_dim3A_172 = arith.constant 54 : i32
      %broadcast_in_dim3A_173 = vector.broadcast %broadcast_in_dim3A_172 : i32 to vector<16xi32>
      tpu.vector_store_idx %arg9[%get3A_58, %broadcast_in_dim3A_173], %broadcast_in_dim3A_25 masked %lt3A : memref<512x64xf32, #tpu.memory_space<vmem>>[vector<16xi32>, vector<16xi32>], vector<16xf32>, vector<16xi1>
      %broadcast_in_dim3A_174 = arith.constant 55 : i32
      %broadcast_in_dim3A_175 = vector.broadcast %broadcast_in_dim3A_174 : i32 to vector<16xi32>
      tpu.vector_store_idx %arg9[%get3A_58, %broadcast_in_dim3A_175], %broadcast_in_dim3A_25 masked %lt3A : memref<512x64xf32, #tpu.memory_space<vmem>>[vector<16xi32>, vector<16xi32>], vector<16xf32>, vector<16xi1>
      %broadcast_in_dim3A_176 = arith.constant 56 : i32
      %broadcast_in_dim3A_177 = vector.broadcast %broadcast_in_dim3A_176 : i32 to vector<16xi32>
      tpu.vector_store_idx %arg9[%get3A_58, %broadcast_in_dim3A_177], %broadcast_in_dim3A_25 masked %lt3A : memref<512x64xf32, #tpu.memory_space<vmem>>[vector<16xi32>, vector<16xi32>], vector<16xf32>, vector<16xi1>
      %broadcast_in_dim3A_178 = arith.constant 57 : i32
      %broadcast_in_dim3A_179 = vector.broadcast %broadcast_in_dim3A_178 : i32 to vector<16xi32>
      tpu.vector_store_idx %arg9[%get3A_58, %broadcast_in_dim3A_179], %broadcast_in_dim3A_25 masked %lt3A : memref<512x64xf32, #tpu.memory_space<vmem>>[vector<16xi32>, vector<16xi32>], vector<16xf32>, vector<16xi1>
      %broadcast_in_dim3A_180 = arith.constant 58 : i32
      %broadcast_in_dim3A_181 = vector.broadcast %broadcast_in_dim3A_180 : i32 to vector<16xi32>
      tpu.vector_store_idx %arg9[%get3A_58, %broadcast_in_dim3A_181], %broadcast_in_dim3A_25 masked %lt3A : memref<512x64xf32, #tpu.memory_space<vmem>>[vector<16xi32>, vector<16xi32>], vector<16xf32>, vector<16xi1>
      %broadcast_in_dim3A_182 = arith.constant 59 : i32
      %broadcast_in_dim3A_183 = vector.broadcast %broadcast_in_dim3A_182 : i32 to vector<16xi32>
      tpu.vector_store_idx %arg9[%get3A_58, %broadcast_in_dim3A_183], %broadcast_in_dim3A_25 masked %lt3A : memref<512x64xf32, #tpu.memory_space<vmem>>[vector<16xi32>, vector<16xi32>], vector<16xf32>, vector<16xi1>
      %broadcast_in_dim3A_184 = arith.constant 60 : i32
      %broadcast_in_dim3A_185 = vector.broadcast %broadcast_in_dim3A_184 : i32 to vector<16xi32>
      tpu.vector_store_idx %arg9[%get3A_58, %broadcast_in_dim3A_185], %broadcast_in_dim3A_25 masked %lt3A : memref<512x64xf32, #tpu.memory_space<vmem>>[vector<16xi32>, vector<16xi32>], vector<16xf32>, vector<16xi1>
      %broadcast_in_dim3A_186 = arith.constant 61 : i32
      %broadcast_in_dim3A_187 = vector.broadcast %broadcast_in_dim3A_186 : i32 to vector<16xi32>
      tpu.vector_store_idx %arg9[%get3A_58, %broadcast_in_dim3A_187], %broadcast_in_dim3A_25 masked %lt3A : memref<512x64xf32, #tpu.memory_space<vmem>>[vector<16xi32>, vector<16xi32>], vector<16xf32>, vector<16xi1>
      %broadcast_in_dim3A_188 = arith.constant 62 : i32
      %broadcast_in_dim3A_189 = vector.broadcast %broadcast_in_dim3A_188 : i32 to vector<16xi32>
      tpu.vector_store_idx %arg9[%get3A_58, %broadcast_in_dim3A_189], %broadcast_in_dim3A_25 masked %lt3A : memref<512x64xf32, #tpu.memory_space<vmem>>[vector<16xi32>, vector<16xi32>], vector<16xf32>, vector<16xi1>
      %broadcast_in_dim3A_190 = arith.constant 63 : i32
      %broadcast_in_dim3A_191 = vector.broadcast %broadcast_in_dim3A_190 : i32 to vector<16xi32>
      tpu.vector_store_idx %arg9[%get3A_58, %broadcast_in_dim3A_191], %broadcast_in_dim3A_25 masked %lt3A : memref<512x64xf32, #tpu.memory_space<vmem>>[vector<16xi32>, vector<16xi32>], vector<16xf32>, vector<16xi1>
    }
    %while3A_54 = arith.constant 1 : i32
    scf.for %while3A_55 = %while3A_52 to %while3A_48 step %while3A_54  : i32 {
      %mul3A_56 = arith.constant 16 : i32
      %mul3A_57 = arith.muli %while3A_55, %mul3A_56 : i32
      %get3A = arith.index_cast %mul3A_57 : i32 to index
      %get3A_58 = tpu.vector_load %arg8[%get3A] {strides = array<i32>} : memref<528xi32, #tpu.memory_space<vmem>>, vector<16xi32>,
      %mul3A_59 = arith.constant 16 : i32
      %mul3A_60 = arith.muli %while3A_55, %mul3A_59 : i32
      %broadcast_in_dim3A_61 = vector.broadcast %mul3A_60 : i32 to vector<16xi32>
      %add3A_62 = arith.addi %iota3A, %broadcast_in_dim3A_61 : vector<16xi32>
      %broadcast_in_dim3A_63 = vector.broadcast %scan3A_10 : i32 to vector<16xi32>
      %lt3A = arith.cmpi slt, %add3A_62, %broadcast_in_dim3A_63 : vector<16xi32>
      %broadcast_in_dim3A_64 = arith.constant 0 : i32
      %broadcast_in_dim3A_65 = vector.broadcast %broadcast_in_dim3A_64 : i32 to vector<16xi32>
      tpu.vector_store_idx %arg9[%get3A_58, %broadcast_in_dim3A_65], %broadcast_in_dim3A_25 masked %lt3A : memref<512x64xf32, #tpu.memory_space<vmem>>[vector<16xi32>, vector<16xi32>], vector<16xf32>, vector<16xi1>
      %broadcast_in_dim3A_66 = arith.constant 1 : i32
      %broadcast_in_dim3A_67 = vector.broadcast %broadcast_in_dim3A_66 : i32 to vector<16xi32>
      tpu.vector_store_idx %arg9[%get3A_58, %broadcast_in_dim3A_67], %broadcast_in_dim3A_25 masked %lt3A : memref<512x64xf32, #tpu.memory_space<vmem>>[vector<16xi32>, vector<16xi32>], vector<16xf32>, vector<16xi1>
      %broadcast_in_dim3A_68 = arith.constant 2 : i32
      %broadcast_in_dim3A_69 = vector.broadcast %broadcast_in_dim3A_68 : i32 to vector<16xi32>
      tpu.vector_store_idx %arg9[%get3A_58, %broadcast_in_dim3A_69], %broadcast_in_dim3A_25 masked %lt3A : memref<512x64xf32, #tpu.memory_space<vmem>>[vector<16xi32>, vector<16xi32>], vector<16xf32>, vector<16xi1>
      %broadcast_in_dim3A_70 = arith.constant 3 : i32
      %broadcast_in_dim3A_71 = vector.broadcast %broadcast_in_dim3A_70 : i32 to vector<16xi32>
      tpu.vector_store_idx %arg9[%get3A_58, %broadcast_in_dim3A_71], %broadcast_in_dim3A_25 masked %lt3A : memref<512x64xf32, #tpu.memory_space<vmem>>[vector<16xi32>, vector<16xi32>], vector<16xf32>, vector<16xi1>
      %broadcast_in_dim3A_72 = arith.constant 4 : i32
      %broadcast_in_dim3A_73 = vector.broadcast %broadcast_in_dim3A_72 : i32 to vector<16xi32>
      tpu.vector_store_idx %arg9[%get3A_58, %broadcast_in_dim3A_73], %broadcast_in_dim3A_25 masked %lt3A : memref<512x64xf32, #tpu.memory_space<vmem>>[vector<16xi32>, vector<16xi32>], vector<16xf32>, vector<16xi1>
      %broadcast_in_dim3A_74 = arith.constant 5 : i32
      %broadcast_in_dim3A_75 = vector.broadcast %broadcast_in_dim3A_74 : i32 to vector<16xi32>
      tpu.vector_store_idx %arg9[%get3A_58, %broadcast_in_dim3A_75], %broadcast_in_dim3A_25 masked %lt3A : memref<512x64xf32, #tpu.memory_space<vmem>>[vector<16xi32>, vector<16xi32>], vector<16xf32>, vector<16xi1>
      %broadcast_in_dim3A_76 = arith.constant 6 : i32
      %broadcast_in_dim3A_77 = vector.broadcast %broadcast_in_dim3A_76 : i32 to vector<16xi32>
      tpu.vector_store_idx %arg9[%get3A_58, %broadcast_in_dim3A_77], %broadcast_in_dim3A_25 masked %lt3A : memref<512x64xf32, #tpu.memory_space<vmem>>[vector<16xi32>, vector<16xi32>], vector<16xf32>, vector<16xi1>
      %broadcast_in_dim3A_78 = arith.constant 7 : i32
      %broadcast_in_dim3A_79 = vector.broadcast %broadcast_in_dim3A_78 : i32 to vector<16xi32>
      tpu.vector_store_idx %arg9[%get3A_58, %broadcast_in_dim3A_79], %broadcast_in_dim3A_25 masked %lt3A : memref<512x64xf32, #tpu.memory_space<vmem>>[vector<16xi32>, vector<16xi32>], vector<16xf32>, vector<16xi1>
      %broadcast_in_dim3A_80 = arith.constant 8 : i32
      %broadcast_in_dim3A_81 = vector.broadcast %broadcast_in_dim3A_80 : i32 to vector<16xi32>
      tpu.vector_store_idx %arg9[%get3A_58, %broadcast_in_dim3A_81], %broadcast_in_dim3A_25 masked %lt3A : memref<512x64xf32, #tpu.memory_space<vmem>>[vector<16xi32>, vector<16xi32>], vector<16xf32>, vector<16xi1>
      %broadcast_in_dim3A_82 = arith.constant 9 : i32
      %broadcast_in_dim3A_83 = vector.broadcast %broadcast_in_dim3A_82 : i32 to vector<16xi32>
      tpu.vector_store_idx %arg9[%get3A_58, %broadcast_in_dim3A_83], %broadcast_in_dim3A_25 masked %lt3A : memref<512x64xf32, #tpu.memory_space<vmem>>[vector<16xi32>, vector<16xi32>], vector<16xf32>, vector<16xi1>
      %broadcast_in_dim3A_84 = arith.constant 10 : i32
      %broadcast_in_dim3A_85 = vector.broadcast %broadcast_in_dim3A_84 : i32 to vector<16xi32>
      tpu.vector_store_idx %arg9[%get3A_58, %broadcast_in_dim3A_85], %broadcast_in_dim3A_25 masked %lt3A : memref<512x64xf32, #tpu.memory_space<vmem>>[vector<16xi32>, vector<16xi32>], vector<16xf32>, vector<16xi1>
      %broadcast_in_dim3A_86 = arith.constant 11 : i32
      %broadcast_in_dim3A_87 = vector.broadcast %broadcast_in_dim3A_86 : i32 to vector<16xi32>
      tpu.vector_store_idx %arg9[%get3A_58, %broadcast_in_dim3A_87], %broadcast_in_dim3A_25 masked %lt3A : memref<512x64xf32, #tpu.memory_space<vmem>>[vector<16xi32>, vector<16xi32>], vector<16xf32>, vector<16xi1>
      %broadcast_in_dim3A_88 = arith.constant 12 : i32
      %broadcast_in_dim3A_89 = vector.broadcast %broadcast_in_dim3A_88 : i32 to vector<16xi32>
      tpu.vector_store_idx %arg9[%get3A_58, %broadcast_in_dim3A_89], %broadcast_in_dim3A_25 masked %lt3A : memref<512x64xf32, #tpu.memory_space<vmem>>[vector<16xi32>, vector<16xi32>], vector<16xf32>, vector<16xi1>
      %broadcast_in_dim3A_90 = arith.constant 13 : i32
      %broadcast_in_dim3A_91 = vector.broadcast %broadcast_in_dim3A_90 : i32 to vector<16xi32>
      tpu.vector_store_idx %arg9[%get3A_58, %broadcast_in_dim3A_91], %broadcast_in_dim3A_25 masked %lt3A : memref<512x64xf32, #tpu.memory_space<vmem>>[vector<16xi32>, vector<16xi32>], vector<16xf32>, vector<16xi1>
      %broadcast_in_dim3A_92 = arith.constant 14 : i32
      %broadcast_in_dim3A_93 = vector.broadcast %broadcast_in_dim3A_92 : i32 to vector<16xi32>
      tpu.vector_store_idx %arg9[%get3A_58, %broadcast_in_dim3A_93], %broadcast_in_dim3A_25 masked %lt3A : memref<512x64xf32, #tpu.memory_space<vmem>>[vector<16xi32>, vector<16xi32>], vector<16xf32>, vector<16xi1>
      %broadcast_in_dim3A_94 = arith.constant 15 : i32
      %broadcast_in_dim3A_95 = vector.broadcast %broadcast_in_dim3A_94 : i32 to vector<16xi32>
      tpu.vector_store_idx %arg9[%get3A_58, %broadcast_in_dim3A_95], %broadcast_in_dim3A_25 masked %lt3A : memref<512x64xf32, #tpu.memory_space<vmem>>[vector<16xi32>, vector<16xi32>], vector<16xf32>, vector<16xi1>
      %broadcast_in_dim3A_96 = arith.constant 16 : i32
      %broadcast_in_dim3A_97 = vector.broadcast %broadcast_in_dim3A_96 : i32 to vector<16xi32>
      tpu.vector_store_idx %arg9[%get3A_58, %broadcast_in_dim3A_97], %broadcast_in_dim3A_25 masked %lt3A : memref<512x64xf32, #tpu.memory_space<vmem>>[vector<16xi32>, vector<16xi32>], vector<16xf32>, vector<16xi1>
      %broadcast_in_dim3A_98 = arith.constant 17 : i32
      %broadcast_in_dim3A_99 = vector.broadcast %broadcast_in_dim3A_98 : i32 to vector<16xi32>
      tpu.vector_store_idx %arg9[%get3A_58, %broadcast_in_dim3A_99], %broadcast_in_dim3A_25 masked %lt3A : memref<512x64xf32, #tpu.memory_space<vmem>>[vector<16xi32>, vector<16xi32>], vector<16xf32>, vector<16xi1>
      %broadcast_in_dim3A_100 = arith.constant 18 : i32
      %broadcast_in_dim3A_101 = vector.broadcast %broadcast_in_dim3A_100 : i32 to vector<16xi32>
      tpu.vector_store_idx %arg9[%get3A_58, %broadcast_in_dim3A_101], %broadcast_in_dim3A_25 masked %lt3A : memref<512x64xf32, #tpu.memory_space<vmem>>[vector<16xi32>, vector<16xi32>], vector<16xf32>, vector<16xi1>
      %broadcast_in_dim3A_102 = arith.constant 19 : i32
      %broadcast_in_dim3A_103 = vector.broadcast %broadcast_in_dim3A_102 : i32 to vector<16xi32>
      tpu.vector_store_idx %arg9[%get3A_58, %broadcast_in_dim3A_103], %broadcast_in_dim3A_25 masked %lt3A : memref<512x64xf32, #tpu.memory_space<vmem>>[vector<16xi32>, vector<16xi32>], vector<16xf32>, vector<16xi1>
      %broadcast_in_dim3A_104 = arith.constant 20 : i32
      %broadcast_in_dim3A_105 = vector.broadcast %broadcast_in_dim3A_104 : i32 to vector<16xi32>
      tpu.vector_store_idx %arg9[%get3A_58, %broadcast_in_dim3A_105], %broadcast_in_dim3A_25 masked %lt3A : memref<512x64xf32, #tpu.memory_space<vmem>>[vector<16xi32>, vector<16xi32>], vector<16xf32>, vector<16xi1>
      %broadcast_in_dim3A_106 = arith.constant 21 : i32
      %broadcast_in_dim3A_107 = vector.broadcast %broadcast_in_dim3A_106 : i32 to vector<16xi32>
      tpu.vector_store_idx %arg9[%get3A_58, %broadcast_in_dim3A_107], %broadcast_in_dim3A_25 masked %lt3A : memref<512x64xf32, #tpu.memory_space<vmem>>[vector<16xi32>, vector<16xi32>], vector<16xf32>, vector<16xi1>
      %broadcast_in_dim3A_108 = arith.constant 22 : i32
      %broadcast_in_dim3A_109 = vector.broadcast %broadcast_in_dim3A_108 : i32 to vector<16xi32>
      tpu.vector_store_idx %arg9[%get3A_58, %broadcast_in_dim3A_109], %broadcast_in_dim3A_25 masked %lt3A : memref<512x64xf32, #tpu.memory_space<vmem>>[vector<16xi32>, vector<16xi32>], vector<16xf32>, vector<16xi1>
      %broadcast_in_dim3A_110 = arith.constant 23 : i32
      %broadcast_in_dim3A_111 = vector.broadcast %broadcast_in_dim3A_110 : i32 to vector<16xi32>
      tpu.vector_store_idx %arg9[%get3A_58, %broadcast_in_dim3A_111], %broadcast_in_dim3A_25 masked %lt3A : memref<512x64xf32, #tpu.memory_space<vmem>>[vector<16xi32>, vector<16xi32>], vector<16xf32>, vector<16xi1>
      %broadcast_in_dim3A_112 = arith.constant 24 : i32
      %broadcast_in_dim3A_113 = vector.broadcast %broadcast_in_dim3A_112 : i32 to vector<16xi32>
      tpu.vector_store_idx %arg9[%get3A_58, %broadcast_in_dim3A_113], %broadcast_in_dim3A_25 masked %lt3A : memref<512x64xf32, #tpu.memory_space<vmem>>[vector<16xi32>, vector<16xi32>], vector<16xf32>, vector<16xi1>
      %broadcast_in_dim3A_114 = arith.constant 25 : i32
      %broadcast_in_dim3A_115 = vector.broadcast %broadcast_in_dim3A_114 : i32 to vector<16xi32>
      tpu.vector_store_idx %arg9[%get3A_58, %broadcast_in_dim3A_115], %broadcast_in_dim3A_25 masked %lt3A : memref<512x64xf32, #tpu.memory_space<vmem>>[vector<16xi32>, vector<16xi32>], vector<16xf32>, vector<16xi1>
      %broadcast_in_dim3A_116 = arith.constant 26 : i32
      %broadcast_in_dim3A_117 = vector.broadcast %broadcast_in_dim3A_116 : i32 to vector<16xi32>
      tpu.vector_store_idx %arg9[%get3A_58, %broadcast_in_dim3A_117], %broadcast_in_dim3A_25 masked %lt3A : memref<512x64xf32, #tpu.memory_space<vmem>>[vector<16xi32>, vector<16xi32>], vector<16xf32>, vector<16xi1>
      %broadcast_in_dim3A_118 = arith.constant 27 : i32
      %broadcast_in_dim3A_119 = vector.broadcast %broadcast_in_dim3A_118 : i32 to vector<16xi32>
      tpu.vector_store_idx %arg9[%get3A_58, %broadcast_in_dim3A_119], %broadcast_in_dim3A_25 masked %lt3A : memref<512x64xf32, #tpu.memory_space<vmem>>[vector<16xi32>, vector<16xi32>], vector<16xf32>, vector<16xi1>
      %broadcast_in_dim3A_120 = arith.constant 28 : i32
      %broadcast_in_dim3A_121 = vector.broadcast %broadcast_in_dim3A_120 : i32 to vector<16xi32>
      tpu.vector_store_idx %arg9[%get3A_58, %broadcast_in_dim3A_121], %broadcast_in_dim3A_25 masked %lt3A : memref<512x64xf32, #tpu.memory_space<vmem>>[vector<16xi32>, vector<16xi32>], vector<16xf32>, vector<16xi1>
      %broadcast_in_dim3A_122 = arith.constant 29 : i32
      %broadcast_in_dim3A_123 = vector.broadcast %broadcast_in_dim3A_122 : i32 to vector<16xi32>
      tpu.vector_store_idx %arg9[%get3A_58, %broadcast_in_dim3A_123], %broadcast_in_dim3A_25 masked %lt3A : memref<512x64xf32, #tpu.memory_space<vmem>>[vector<16xi32>, vector<16xi32>], vector<16xf32>, vector<16xi1>
      %broadcast_in_dim3A_124 = arith.constant 30 : i32
      %broadcast_in_dim3A_125 = vector.broadcast %broadcast_in_dim3A_124 : i32 to vector<16xi32>
      tpu.vector_store_idx %arg9[%get3A_58, %broadcast_in_dim3A_125], %broadcast_in_dim3A_25 masked %lt3A : memref<512x64xf32, #tpu.memory_space<vmem>>[vector<16xi32>, vector<16xi32>], vector<16xf32>, vector<16xi1>
      %broadcast_in_dim3A_126 = arith.constant 31 : i32
      %broadcast_in_dim3A_127 = vector.broadcast %broadcast_in_dim3A_126 : i32 to vector<16xi32>
      tpu.vector_store_idx %arg9[%get3A_58, %broadcast_in_dim3A_127], %broadcast_in_dim3A_25 masked %lt3A : memref<512x64xf32, #tpu.memory_space<vmem>>[vector<16xi32>, vector<16xi32>], vector<16xf32>, vector<16xi1>
      %broadcast_in_dim3A_128 = arith.constant 32 : i32
      %broadcast_in_dim3A_129 = vector.broadcast %broadcast_in_dim3A_128 : i32 to vector<16xi32>
      tpu.vector_store_idx %arg9[%get3A_58, %broadcast_in_dim3A_129], %broadcast_in_dim3A_25 masked %lt3A : memref<512x64xf32, #tpu.memory_space<vmem>>[vector<16xi32>, vector<16xi32>], vector<16xf32>, vector<16xi1>
      %broadcast_in_dim3A_130 = arith.constant 33 : i32
      %broadcast_in_dim3A_131 = vector.broadcast %broadcast_in_dim3A_130 : i32 to vector<16xi32>
      tpu.vector_store_idx %arg9[%get3A_58, %broadcast_in_dim3A_131], %broadcast_in_dim3A_25 masked %lt3A : memref<512x64xf32, #tpu.memory_space<vmem>>[vector<16xi32>, vector<16xi32>], vector<16xf32>, vector<16xi1>
      %broadcast_in_dim3A_132 = arith.constant 34 : i32
      %broadcast_in_dim3A_133 = vector.broadcast %broadcast_in_dim3A_132 : i32 to vector<16xi32>
      tpu.vector_store_idx %arg9[%get3A_58, %broadcast_in_dim3A_133], %broadcast_in_dim3A_25 masked %lt3A : memref<512x64xf32, #tpu.memory_space<vmem>>[vector<16xi32>, vector<16xi32>], vector<16xf32>, vector<16xi1>
      %broadcast_in_dim3A_134 = arith.constant 35 : i32
      %broadcast_in_dim3A_135 = vector.broadcast %broadcast_in_dim3A_134 : i32 to vector<16xi32>
      tpu.vector_store_idx %arg9[%get3A_58, %broadcast_in_dim3A_135], %broadcast_in_dim3A_25 masked %lt3A : memref<512x64xf32, #tpu.memory_space<vmem>>[vector<16xi32>, vector<16xi32>], vector<16xf32>, vector<16xi1>
      %broadcast_in_dim3A_136 = arith.constant 36 : i32
      %broadcast_in_dim3A_137 = vector.broadcast %broadcast_in_dim3A_136 : i32 to vector<16xi32>
      tpu.vector_store_idx %arg9[%get3A_58, %broadcast_in_dim3A_137], %broadcast_in_dim3A_25 masked %lt3A : memref<512x64xf32, #tpu.memory_space<vmem>>[vector<16xi32>, vector<16xi32>], vector<16xf32>, vector<16xi1>
      %broadcast_in_dim3A_138 = arith.constant 37 : i32
      %broadcast_in_dim3A_139 = vector.broadcast %broadcast_in_dim3A_138 : i32 to vector<16xi32>
      tpu.vector_store_idx %arg9[%get3A_58, %broadcast_in_dim3A_139], %broadcast_in_dim3A_25 masked %lt3A : memref<512x64xf32, #tpu.memory_space<vmem>>[vector<16xi32>, vector<16xi32>], vector<16xf32>, vector<16xi1>
      %broadcast_in_dim3A_140 = arith.constant 38 : i32
      %broadcast_in_dim3A_141 = vector.broadcast %broadcast_in_dim3A_140 : i32 to vector<16xi32>
      tpu.vector_store_idx %arg9[%get3A_58, %broadcast_in_dim3A_141], %broadcast_in_dim3A_25 masked %lt3A : memref<512x64xf32, #tpu.memory_space<vmem>>[vector<16xi32>, vector<16xi32>], vector<16xf32>, vector<16xi1>
      %broadcast_in_dim3A_142 = arith.constant 39 : i32
      %broadcast_in_dim3A_143 = vector.broadcast %broadcast_in_dim3A_142 : i32 to vector<16xi32>
      tpu.vector_store_idx %arg9[%get3A_58, %broadcast_in_dim3A_143], %broadcast_in_dim3A_25 masked %lt3A : memref<512x64xf32, #tpu.memory_space<vmem>>[vector<16xi32>, vector<16xi32>], vector<16xf32>, vector<16xi1>
      %broadcast_in_dim3A_144 = arith.constant 40 : i32
      %broadcast_in_dim3A_145 = vector.broadcast %broadcast_in_dim3A_144 : i32 to vector<16xi32>
      tpu.vector_store_idx %arg9[%get3A_58, %broadcast_in_dim3A_145], %broadcast_in_dim3A_25 masked %lt3A : memref<512x64xf32, #tpu.memory_space<vmem>>[vector<16xi32>, vector<16xi32>], vector<16xf32>, vector<16xi1>
      %broadcast_in_dim3A_146 = arith.constant 41 : i32
      %broadcast_in_dim3A_147 = vector.broadcast %broadcast_in_dim3A_146 : i32 to vector<16xi32>
      tpu.vector_store_idx %arg9[%get3A_58, %broadcast_in_dim3A_147], %broadcast_in_dim3A_25 masked %lt3A : memref<512x64xf32, #tpu.memory_space<vmem>>[vector<16xi32>, vector<16xi32>], vector<16xf32>, vector<16xi1>
      %broadcast_in_dim3A_148 = arith.constant 42 : i32
      %broadcast_in_dim3A_149 = vector.broadcast %broadcast_in_dim3A_148 : i32 to vector<16xi32>
      tpu.vector_store_idx %arg9[%get3A_58, %broadcast_in_dim3A_149], %broadcast_in_dim3A_25 masked %lt3A : memref<512x64xf32, #tpu.memory_space<vmem>>[vector<16xi32>, vector<16xi32>], vector<16xf32>, vector<16xi1>
      %broadcast_in_dim3A_150 = arith.constant 43 : i32
      %broadcast_in_dim3A_151 = vector.broadcast %broadcast_in_dim3A_150 : i32 to vector<16xi32>
      tpu.vector_store_idx %arg9[%get3A_58, %broadcast_in_dim3A_151], %broadcast_in_dim3A_25 masked %lt3A : memref<512x64xf32, #tpu.memory_space<vmem>>[vector<16xi32>, vector<16xi32>], vector<16xf32>, vector<16xi1>
      %broadcast_in_dim3A_152 = arith.constant 44 : i32
      %broadcast_in_dim3A_153 = vector.broadcast %broadcast_in_dim3A_152 : i32 to vector<16xi32>
      tpu.vector_store_idx %arg9[%get3A_58, %broadcast_in_dim3A_153], %broadcast_in_dim3A_25 masked %lt3A : memref<512x64xf32, #tpu.memory_space<vmem>>[vector<16xi32>, vector<16xi32>], vector<16xf32>, vector<16xi1>
      %broadcast_in_dim3A_154 = arith.constant 45 : i32
      %broadcast_in_dim3A_155 = vector.broadcast %broadcast_in_dim3A_154 : i32 to vector<16xi32>
      tpu.vector_store_idx %arg9[%get3A_58, %broadcast_in_dim3A_155], %broadcast_in_dim3A_25 masked %lt3A : memref<512x64xf32, #tpu.memory_space<vmem>>[vector<16xi32>, vector<16xi32>], vector<16xf32>, vector<16xi1>
      %broadcast_in_dim3A_156 = arith.constant 46 : i32
      %broadcast_in_dim3A_157 = vector.broadcast %broadcast_in_dim3A_156 : i32 to vector<16xi32>
      tpu.vector_store_idx %arg9[%get3A_58, %broadcast_in_dim3A_157], %broadcast_in_dim3A_25 masked %lt3A : memref<512x64xf32, #tpu.memory_space<vmem>>[vector<16xi32>, vector<16xi32>], vector<16xf32>, vector<16xi1>
      %broadcast_in_dim3A_158 = arith.constant 47 : i32
      %broadcast_in_dim3A_159 = vector.broadcast %broadcast_in_dim3A_158 : i32 to vector<16xi32>
      tpu.vector_store_idx %arg9[%get3A_58, %broadcast_in_dim3A_159], %broadcast_in_dim3A_25 masked %lt3A : memref<512x64xf32, #tpu.memory_space<vmem>>[vector<16xi32>, vector<16xi32>], vector<16xf32>, vector<16xi1>
      %broadcast_in_dim3A_160 = arith.constant 48 : i32
      %broadcast_in_dim3A_161 = vector.broadcast %broadcast_in_dim3A_160 : i32 to vector<16xi32>
      tpu.vector_store_idx %arg9[%get3A_58, %broadcast_in_dim3A_161], %broadcast_in_dim3A_25 masked %lt3A : memref<512x64xf32, #tpu.memory_space<vmem>>[vector<16xi32>, vector<16xi32>], vector<16xf32>, vector<16xi1>
      %broadcast_in_dim3A_162 = arith.constant 49 : i32
      %broadcast_in_dim3A_163 = vector.broadcast %broadcast_in_dim3A_162 : i32 to vector<16xi32>
      tpu.vector_store_idx %arg9[%get3A_58, %broadcast_in_dim3A_163], %broadcast_in_dim3A_25 masked %lt3A : memref<512x64xf32, #tpu.memory_space<vmem>>[vector<16xi32>, vector<16xi32>], vector<16xf32>, vector<16xi1>
      %broadcast_in_dim3A_164 = arith.constant 50 : i32
      %broadcast_in_dim3A_165 = vector.broadcast %broadcast_in_dim3A_164 : i32 to vector<16xi32>
      tpu.vector_store_idx %arg9[%get3A_58, %broadcast_in_dim3A_165], %broadcast_in_dim3A_25 masked %lt3A : memref<512x64xf32, #tpu.memory_space<vmem>>[vector<16xi32>, vector<16xi32>], vector<16xf32>, vector<16xi1>
      %broadcast_in_dim3A_166 = arith.constant 51 : i32
      %broadcast_in_dim3A_167 = vector.broadcast %broadcast_in_dim3A_166 : i32 to vector<16xi32>
      tpu.vector_store_idx %arg9[%get3A_58, %broadcast_in_dim3A_167], %broadcast_in_dim3A_25 masked %lt3A : memref<512x64xf32, #tpu.memory_space<vmem>>[vector<16xi32>, vector<16xi32>], vector<16xf32>, vector<16xi1>
      %broadcast_in_dim3A_168 = arith.constant 52 : i32
      %broadcast_in_dim3A_169 = vector.broadcast %broadcast_in_dim3A_168 : i32 to vector<16xi32>
      tpu.vector_store_idx %arg9[%get3A_58, %broadcast_in_dim3A_169], %broadcast_in_dim3A_25 masked %lt3A : memref<512x64xf32, #tpu.memory_space<vmem>>[vector<16xi32>, vector<16xi32>], vector<16xf32>, vector<16xi1>
      %broadcast_in_dim3A_170 = arith.constant 53 : i32
      %broadcast_in_dim3A_171 = vector.broadcast %broadcast_in_dim3A_170 : i32 to vector<16xi32>
      tpu.vector_store_idx %arg9[%get3A_58, %broadcast_in_dim3A_171], %broadcast_in_dim3A_25 masked %lt3A : memref<512x64xf32, #tpu.memory_space<vmem>>[vector<16xi32>, vector<16xi32>], vector<16xf32>, vector<16xi1>
      %broadcast_in_dim3A_172 = arith.constant 54 : i32
      %broadcast_in_dim3A_173 = vector.broadcast %broadcast_in_dim3A_172 : i32 to vector<16xi32>
      tpu.vector_store_idx %arg9[%get3A_58, %broadcast_in_dim3A_173], %broadcast_in_dim3A_25 masked %lt3A : memref<512x64xf32, #tpu.memory_space<vmem>>[vector<16xi32>, vector<16xi32>], vector<16xf32>, vector<16xi1>
      %broadcast_in_dim3A_174 = arith.constant 55 : i32
      %broadcast_in_dim3A_175 = vector.broadcast %broadcast_in_dim3A_174 : i32 to vector<16xi32>
      tpu.vector_store_idx %arg9[%get3A_58, %broadcast_in_dim3A_175], %broadcast_in_dim3A_25 masked %lt3A : memref<512x64xf32, #tpu.memory_space<vmem>>[vector<16xi32>, vector<16xi32>], vector<16xf32>, vector<16xi1>
      %broadcast_in_dim3A_176 = arith.constant 56 : i32
      %broadcast_in_dim3A_177 = vector.broadcast %broadcast_in_dim3A_176 : i32 to vector<16xi32>
      tpu.vector_store_idx %arg9[%get3A_58, %broadcast_in_dim3A_177], %broadcast_in_dim3A_25 masked %lt3A : memref<512x64xf32, #tpu.memory_space<vmem>>[vector<16xi32>, vector<16xi32>], vector<16xf32>, vector<16xi1>
      %broadcast_in_dim3A_178 = arith.constant 57 : i32
      %broadcast_in_dim3A_179 = vector.broadcast %broadcast_in_dim3A_178 : i32 to vector<16xi32>
      tpu.vector_store_idx %arg9[%get3A_58, %broadcast_in_dim3A_179], %broadcast_in_dim3A_25 masked %lt3A : memref<512x64xf32, #tpu.memory_space<vmem>>[vector<16xi32>, vector<16xi32>], vector<16xf32>, vector<16xi1>
      %broadcast_in_dim3A_180 = arith.constant 58 : i32
      %broadcast_in_dim3A_181 = vector.broadcast %broadcast_in_dim3A_180 : i32 to vector<16xi32>
      tpu.vector_store_idx %arg9[%get3A_58, %broadcast_in_dim3A_181], %broadcast_in_dim3A_25 masked %lt3A : memref<512x64xf32, #tpu.memory_space<vmem>>[vector<16xi32>, vector<16xi32>], vector<16xf32>, vector<16xi1>
      %broadcast_in_dim3A_182 = arith.constant 59 : i32
      %broadcast_in_dim3A_183 = vector.broadcast %broadcast_in_dim3A_182 : i32 to vector<16xi32>
      tpu.vector_store_idx %arg9[%get3A_58, %broadcast_in_dim3A_183], %broadcast_in_dim3A_25 masked %lt3A : memref<512x64xf32, #tpu.memory_space<vmem>>[vector<16xi32>, vector<16xi32>], vector<16xf32>, vector<16xi1>
      %broadcast_in_dim3A_184 = arith.constant 60 : i32
      %broadcast_in_dim3A_185 = vector.broadcast %broadcast_in_dim3A_184 : i32 to vector<16xi32>
      tpu.vector_store_idx %arg9[%get3A_58, %broadcast_in_dim3A_185], %broadcast_in_dim3A_25 masked %lt3A : memref<512x64xf32, #tpu.memory_space<vmem>>[vector<16xi32>, vector<16xi32>], vector<16xf32>, vector<16xi1>
      %broadcast_in_dim3A_186 = arith.constant 61 : i32
      %broadcast_in_dim3A_187 = vector.broadcast %broadcast_in_dim3A_186 : i32 to vector<16xi32>
      tpu.vector_store_idx %arg9[%get3A_58, %broadcast_in_dim3A_187], %broadcast_in_dim3A_25 masked %lt3A : memref<512x64xf32, #tpu.memory_space<vmem>>[vector<16xi32>, vector<16xi32>], vector<16xf32>, vector<16xi1>
      %broadcast_in_dim3A_188 = arith.constant 62 : i32
      %broadcast_in_dim3A_189 = vector.broadcast %broadcast_in_dim3A_188 : i32 to vector<16xi32>
      tpu.vector_store_idx %arg9[%get3A_58, %broadcast_in_dim3A_189], %broadcast_in_dim3A_25 masked %lt3A : memref<512x64xf32, #tpu.memory_space<vmem>>[vector<16xi32>, vector<16xi32>], vector<16xf32>, vector<16xi1>
      %broadcast_in_dim3A_190 = arith.constant 63 : i32
      %broadcast_in_dim3A_191 = vector.broadcast %broadcast_in_dim3A_190 : i32 to vector<16xi32>
      tpu.vector_store_idx %arg9[%get3A_58, %broadcast_in_dim3A_191], %broadcast_in_dim3A_25 masked %lt3A : memref<512x64xf32, #tpu.memory_space<vmem>>[vector<16xi32>, vector<16xi32>], vector<16xf32>, vector<16xi1>
    }
    "tpu.region"() ({
      %run_scoped3A = tpu.sem_alloc : memref<!tpu.dma_semaphore, #tpu.memory_space<semaphore_mem>>
      %dma_start3A = arith.constant 0 : i32
      %dma_start3A_55 = tpu.memref_slice %arg4[%mul3A_2, %dma_start3A] : memref<16384x64xf32, #tpu.memory_space<hbm>> -> memref<512x64xf32, #tpu.memory_space<hbm>>
      %dma_start3A_56 = arith.constant 0 : i32
      %dma_start3A_57 = tpu.memref_slice %arg4[%mul3A_2, %dma_start3A_56] : memref<16384x64xf32, #tpu.memory_space<hbm>> -> memref<512x64xf32, #tpu.memory_space<hbm>>
      tpu.enqueue_dma source(%arg9 : memref<512x64xf32, #tpu.memory_space<vmem>>) target(%dma_start3A_57 : memref<512x64xf32, #tpu.memory_space<hbm>>) target_semaphore(%run_scoped3A : memref<!tpu.dma_semaphore, #tpu.memory_space<semaphore_mem>>)
      %dma_wait3A = arith.constant 0 : i32
      %dma_wait3A_58 = tpu.memref_slice %arg4[%mul3A_2, %dma_wait3A] : memref<16384x64xf32, #tpu.memory_space<hbm>> -> memref<512x64xf32, #tpu.memory_space<hbm>>
      %dma_wait3A_59 = arith.constant 0 : i32
      %dma_wait3A_60 = tpu.memref_slice %arg4[%mul3A_2, %dma_wait3A_59] : memref<16384x64xf32, #tpu.memory_space<hbm>> -> memref<512x64xf32, #tpu.memory_space<hbm>>
      tpu.wait_dma2 semaphore(%run_scoped3A : memref<!tpu.dma_semaphore, #tpu.memory_space<semaphore_mem>>) src(%arg9 : memref<512x64xf32, #tpu.memory_space<vmem>>) dst(%dma_wait3A_60 : memref<512x64xf32, #tpu.memory_space<hbm>>)
      tpu.yield
    }) : () -> ()
    return
  }
}

</mosaic_0001>

<sc_bundles>
// kernel: kernel.3.cloned.1.call-start
scs
__scs_entry_jumppad:
0x0: {  	(pc) =	sbr.rel $0x88, $3  }
0x1: {  	(tag) =	ssettag $0x0;
	lr =	simm.s32 $0x1  }
0x2: {  	[smem:$0x3F9F] =	sst lr;
	_ =	strace $0xD0000000  }
0x3: {  	_ = 	snop  }
0x4: {  	_ = 	snop  }
0x5: {  	_ = 	snop  }
0x6: {  	_ = 	snop  }
0x7: {  	_ = 	snop  }
__scs_overlays_trampoline_lowered:
0x8: {  	[smem:$0x3FAE] =	sst s0  }
0x9: {  	[smem:$0x3FAF] =	sst s1  }
0xa: {  	[smem:$0x3FB0] =	sst s2  }
0xb: {  	[smem:$0x3FB1] =	sst s3  }
0xc: {  	[smem:$0x3FB2] =	sst s4  }
0xd: {  	[smem:$0x3FB3] =	sst s5  }
0xe: {  	[smem:$0x3FB4] =	sst s6  }
0xf: {  	[smem:$0x3FB5] =	sst s7  }
0x10: {  	[smem:$0x3FB6] =	sst s8  }
0x11: {  	[smem:$0x3FB7] =	sst s9;
	s0 =	simm.s32 @!p0 $0x0  }
0x12: {  	s1 =	sld [smem:$0x3F9D];
	s0 =	simm.s32 @p0 $0x1  }
0x13: {  	[smem:$0x3FB8] =	sst s0;
	s0 =	simm.s32 @!p1 $0x0  }
0x14: {  	s2 =	sld [smem:$0x3F9C];
	s0 =	simm.s32 @p1 $0x1  }
0x15: {  	[smem:$0x3FB9] =	sst s0;
	s0 =	simm.s32 @!p2 $0x0  }
0x16: {  	s3 =	sld [smem:$0x3FDB];
	s0 =	simm.s32 @p2 $0x1  }
0x17: {  	s4 =	simm.s32 $0x1BF5;
	[smem:$0x3FBB] =	sst s0  }
0x18: {  	s0 =	sld [smem:$0x3F9E];
	_ =	swait.ge [sflag:s4], $0x0  }
0x19: {  	s7 =	sld [smem:$0x3F9F]  }
0x1a: {  	s8 =	sadd.s32 $0xFFFFE003, lr  }
0x1b: {  	s9 =	sadd.s32 $0xFFFFFEF7, lr;
	s5 =	simm.s32 $0xFFFFFFFF;
	p2 =	slt.u32 s8, $0xFFFFF086  }
0x1c: {  	p1 =	slt.u32 s9, $0xF7A;
	s5 =	simm.s32 @!p2 $0x0  }
0x1d: {  	s5 =	simm.s32 @p1 $0x1;
	p0 =	seq.s32 s7, s2  }
0x1e: {  	s7 =	smul.u32 @!p0 $0xF7A, s2;
	p2 =	seq.s32 @!p0 s5, $0x0  }
0x1f: {  	s9 =	smul.u32 $0xF7A, s1;
	s8 =	simm.s32 @!p0 $0x1BF5;
	p2 =	por !p2, p0  }
0x20: {  	[sflag:s8] =	ssyncset.s32 @!p0 $0xFFFFF086;
	s6 =	sadd.s32 @!p0 s3, s7;
	s7 =	simm.s32 @!p0 $0x108  }
0x21: {  	s3 =	sadd.s32 s3, s9;
	s6 =	sadd.s32 @!p0 $0x88, s6;
	s7 =	simm.s32 @p2 $0x1082  }
0x22: {  	[simem:s7], [sflag:s8] =	dma.local @!p0 [hbm:s6], $0xF7A  }
0x23: {  	s9 =	sor.u32 $0xD0000000, s2;
	s6 =	simm.s32 $0x108;
	_ =	swait.ge @!p0 [sflag:s8], $0x0  }
0x24: {  	s3 =	sadd.s32 $0x88, s3;
	s6 =	simm.s32 @!p1 $0x1082;
	[sflag:s4] =	ssyncset.s32 $0xFFFFF086  }
0x25: {  	[simem:s6], [sflag:s4] =	dma.local [hbm:s3], $0xF7A  }
0x26: {  	[smem:$0x3F9F] =	sst s1;
	(tag) =	ssettag s2;
	_ =	strace s9  }
0x27: {  	s1 =	sld [smem:$0x3FAF]  }
0x28: {  	s2 =	sld [smem:$0x3FB0]  }
0x29: {  	s4 =	sld [smem:$0x3FB2]  }
0x2a: {  	p0 =	seq.s32 s5, $0x0;
	s5 =	sld [smem:$0x3FB3]  }
0x2b: {  	s6 =	sld [smem:$0x3FB4]  }
0x2c: {  	s7 =	sld [smem:$0x3FB5]  }
0x2d: {  	s3 =	simm.s32 $0x108;
	s8 =	sld [smem:$0x3FB6]  }
0x2e: {  	s3 =	simm.s32 @!p0 $0x1082;
	s9 =	sld [smem:$0x3FB7]  }
0x2f: {  	lr =	sadd.s32 s0, s3;
	s0 =	sld [smem:$0x3FAE]  }
0x30: {  	s3 =	sld [smem:$0x3FB1]  }
0x31: {  	[smem:$0x3FBA] =	sst s10  }
0x32: {  	s10 =	sld [smem:$0x3FB8];
	_ =	sdelay $0x3  }
0x33: {  	p0 =	seq.s32 s10, $0x1;
	s10 =	sld [smem:$0x3FBA];
	_ =	sdelay $0x3  }
0x34: {  	[smem:$0x3FBA] =	sst s10  }
0x35: {  	s10 =	sld [smem:$0x3FB9];
	_ =	sdelay $0x3  }
0x36: {  	p1 =	seq.s32 s10, $0x1;
	s10 =	sld [smem:$0x3FBA];
	_ =	sdelay $0x3  }
0x37: {  	[smem:$0x3FBA] =	sst s10  }
0x38: {  	s10 =	sld [smem:$0x3FBB]  }
0x39: {  	_ = 	snop;
	(pc) =	sbr.ind lr, $3  }
0x3a: {  	_ = 	snop  }
0x3b: {  	_ = 	snop  }
0x3c: {  	p2 =	seq.s32 s10, $0x1;
	s10 =	sld [smem:$0x3FBA]  }
0x3d: {  	_ =	shalt  }
0x3e: {  	_ =	shalt  }
0x3f: {  	_ =	shalt  }
0x40: {  	_ =	shalt  }
0x41: {  	_ =	shalt  }
0x42: {  	_ =	shalt  }
0x43: {  	_ =	shalt  }
0x44: {  	_ =	shalt  }
0x45: {  	_ =	shalt  }
0x46: {  	_ =	shalt  }
0x47: {  	_ =	shalt  }
0x48: {  	_ =	shalt  }
0x49: {  	_ =	shalt  }
0x4a: {  	_ =	shalt  }
0x4b: {  	_ =	shalt  }
0x4c: {  	_ =	shalt  }
0x4d: {  	_ =	shalt  }
0x4e: {  	_ =	shalt  }
0x4f: {  	_ =	shalt  }
0x50: {  	_ =	shalt  }
0x51: {  	_ =	shalt  }
0x52: {  	_ =	shalt  }
0x53: {  	_ =	shalt  }
0x54: {  	_ =	shalt  }
0x55: {  	_ =	shalt  }
0x56: {  	_ =	shalt  }
0x57: {  	_ =	shalt  }
0x58: {  	_ =	shalt  }
0x59: {  	_ =	shalt  }
0x5a: {  	_ =	shalt  }
0x5b: {  	_ =	shalt  }
0x5c: {  	_ =	shalt  }
0x5d: {  	_ =	shalt  }
0x5e: {  	_ =	shalt  }
0x5f: {  	_ =	shalt  }
0x60: {  	_ =	shalt  }
0x61: {  	_ =	shalt  }
0x62: {  	_ =	shalt  }
0x63: {  	_ =	shalt  }
0x64: {  	_ =	shalt  }
0x65: {  	_ =	shalt  }
0x66: {  	_ =	shalt  }
0x67: {  	_ =	shalt  }
0x68: {  	_ =	shalt  }
0x69: {  	_ =	shalt  }
0x6a: {  	_ =	shalt  }
0x6b: {  	_ =	shalt  }
0x6c: {  	_ =	shalt  }
0x6d: {  	_ =	shalt  }
0x6e: {  	_ =	shalt  }
0x6f: {  	_ =	shalt  }
0x70: {  	_ =	shalt  }
0x71: {  	_ =	shalt  }
0x72: {  	_ =	shalt  }
0x73: {  	_ =	shalt  }
0x74: {  	_ =	shalt  }
0x75: {  	_ =	shalt  }
0x76: {  	_ =	shalt  }
0x77: {  	_ =	shalt  }
0x78: {  	_ =	shalt  }
0x79: {  	_ =	shalt  }
0x7a: {  	_ =	shalt  }
0x7b: {  	_ =	shalt  }
0x7c: {  	_ =	shalt  }
0x7d: {  	_ =	shalt  }
0x7e: {  	_ =	shalt  }
0x7f: {  	_ =	shalt  }
0x80: {  	_ =	shalt  }
0x81: {  	_ =	shalt  }
0x82: {  	_ =	shalt  }
0x83: {  	_ =	shalt  }
0x84: {  	_ =	shalt  }
0x85: {  	_ =	shalt  }
0x86: {  	_ =	shalt  }
0x87: {  	_ =	shalt  }
.Lfunc_end0:
.L_simem_size_0:
called_computation_lowered:
.L_overlay_start_0:
0x88: {  	s2 =	sld [smem:$0x3FD9]  }
0x89: {  	s3 =	sld [smem:$0x3FFE];
	_ =	sdelay $0x1  }
0x8a: {  	s1 =	srdreg.scid  }
0x8b: {  	s0 =	sand.u32 $0x1, s1  }
0x8c: {  	s17 =	sshll.u32 s0, $0xA;
	s2 =	sadd.s32 s3, s2  }
0x8d: {  	s2 =	sadd.s32 s2, s17  }
0x8e: {  	[smem:$0x3FC6] =	sst s2  }
0x8f: {  	_ = 	snop  }
0x90: {  	s2 =	sld [smem:$0x3FC9];
	(tm) =	ssettm $0x1  }
0x91: {  	s18 =	sld [smem:$0x3FFB];
	_ =	sdelay $0x3  }
0x92: {  	_ =	strace s18  }
0x93: {  	s3 =	sld [smem:$0x3FFC];
	_ =	sdelay $0x3  }
0x94: {  	_ =	strace s3  }
0x95: {  	s3 =	sld [smem:$0x3FFD];
	_ =	sdelay $0x3  }
0x96: {  	_ =	strace s3  }
0x97: {  	_ =	strace $0x8FFFFFFF  }
0x98: {  	s19 =	sld [smem:$0x3FDB];
	_ =	sdelay $0x1  }
0x99: {  	s4 =	simm.s32 $_scs_section_size  }
0x9a: {  	s5 =	simm.s32 $_size__tile_overlayer_lowered;
	s6 =	simm.s32 $_tile_overlayer_lowered  }
0x9b: {  	s22 =	simm.s32 $0x1BFF;
	s21 =	sshll.u32 s6, $0x1;
	s3 =	sadd.s32 s4, s19  }
0x9c: {  	s7 =	simm.s32 $0x0;
	s20 =	sshll.u32 s5, $0x1;
	s5 =	sadd.s32 s21, s3  }
0x9d: {  	[timem:s7], [sflag:s22] =	dma.local [hbm:s5], s20  }
0x9e: {  	_ =	swait.ge [sflag:s22], s20  }
0x9f: {  	s4 =	ssub.s32 $0x0, s20;
	[sflag:s22] =	ssyncset.done $0x0  }
0xa0: {  	[sflag:s22] =	ssyncadd.s32 s4;
	_ =	sdelay $0x1  }
0xa1: {  	s23 =	simm.s32 $0x1B8B  }
0xa2: {  	_ =	swait.ge [sflag:s23], $0x1  }
0xa3: {  	[sflag:s23] =	ssyncset.done $0x0  }
0xa4: {  	s25 =	simm.s32 $0x1B8E;
	s24 =	sld [smem:$0x3FFE];
	[sflag:s23] =	ssyncadd.s32 $0xFFFFFFFF  }
0xa5: {  	s26 =	simm.s32 $execute0_lowered;
	[smem:$0x3FD2] =	sst s25  }
0xa6: {  	s5 =	sshll.u32 s26, $0x1;
	_ =	strace $0x80000046;
	[dreg:$0x1] =	wrdreg $0xFFFFFFFF  }
0xa7: {  	s28 =	simm.s32 $_size_execute0_lowered;
	s3 =	sadd.s32 s3, s5;
	[dreg:$0x0] =	wrdreg $0x0  }
0xa8: {  	s5 =	sshll.u32 s28, $0x1;
	[dreg:$0x2] =	wrdreg s3  }
0xa9: {  	[dreg:$0x3] =	wrdreg s5  }
0xaa: {  	[dreg:$0x4] =	wrdreg $0xC0  }
0xab: {  	_ =	task [dreg:s7], $0x5FFFF  }
0xac: {  	[dreg:$0x1] =	wrdreg $0xFFFFFFFF  }
0xad: {  	[dreg:$0x0] =	wrdreg $0x60  }
0xae: {  	[dreg:$0x2] =	wrdreg s2  }
0xaf: {  	[dreg:$0x3] =	wrdreg s24  }
0xb0: {  	[dreg:$0x4] =	wrdreg $0x9  }
0xb1: {  	_ =	task.clear_ibuf [dreg:s7], $0x5FFFF;
	_ =	strace $0x90000046  }
0xb2: {  	s29 =	simm.s32 $0x9;
	_ =	strace $0x80000048  }
0xb3: {  	_ =	swait.ge [sflag:s29], $0x1  }
0xb4: {  	[sflag:s29] =	ssyncadd.s32 $0xFFFFFFFF  }
0xb5: {  	_ =	strace $0x90000048  }
0xb6: {  	_ =	sfence  }
0xb7: {  	s30 =	sld [smem:$0x0];
	_ =	sdelay $0x2  }
0xb8: {  	s31 =	sshll.u32 s1, $0xD;
	s1 =	sshrl.u32 s1, $0x2  }
0xb9: {  	s3 =	sand.u32 $0x4000, s31;
	s1 =	sadd.s32 s1, s30  }
0xba: {  	s0 =	sor.u32 s3, s0;
	s1 =	sshll.u32 s1, $0x11  }
0xbb: {  	s0 =	sor.u32 s1, s0  }
0xbc: {  	s0 =	sadd.s32 $0x8F2B, s0  }
0xbd: {  	[sflag:s0] =	ssyncadd.remote.s32 $0x1  }
0xbe: {  	_ =	sfence.sel $0xFFFF  }
0xbf: {  	[dreg:$0x0] =	wrdreg $0xFFFFFFFF;
	(pc) =	sbr.abs _section_cstart, $3  }
0xc0: {  	[dreg:$0x1] =	wrdreg $0xFFFFFFFF  }
0xc1: {  	_ =	task.clear_ibuf [dreg:s7], $0x2FFFF;
	_ =	strace $0x9FFFFFFF  }
0xc2: {  	(tm) =	ssettm $0x7FFFFFFF  }
0xc3: {  	_ =	shalt  }
tec
execute0_lowered:
.L_overlay_start_1:
0x0: {  	(tag) =	ssettag $0x1  }
0x1: {  	s4 =	rddreg [dreg:$0x0]  }
0x2: {  	s5 =	rddreg [dreg:$0x1]  }
0x3: {  	s0 =	rddreg [dreg:$0x2];
	s3 =	srdreg.scid  }
0x4: {  	s2 =	simm.s32 $0x0;
	s1 =	stileid.u32;
	s9 =	simm.s32 $0x1  }
0x5: {  	s10 =	simm.s32 $0x880;
	s11 =	simm.s32 $0x0;
	s6 =	sand.u32 $0x1, s3  }
0x6: {  	[smem:$0x7FF] =	sst s2;
	s30 =	sshll.u32 s1, $0xA;
	s3 =	sadd.s32 $0x400, s5  }
.Ltmp0:
0x7: {  	s7 =	sshll.u32 s6, $0x9;
	s6 =	ssub.s32 $0x2, s6;
	(pc) =	sbr.rel .LBB2_1-.Ltmp0, $4  }
0x8: {  	_ =	strace $0x80000047;
	s7 =	sor.u32 s7, s30;
	s31 =	sshrl.u32 s6, $0x1  }
0x9: {  	s8 =	sshll.u32 s7, $0x4;
	s7 =	sshrl.u32 s7, $0x3;
	s6 =	ssub.s32 s6, s31  }
0xa: {  	s5 =	sadd.s32 s8, s5;
	s4 =	sadd.s32 s4, s7;
	s6 =	smax.u32 s6, $0x1  }
0xb: {  	v0 =	vimm.s32 $0x0;
	v1 =	vlaneseq.u32;
	v2 =	vimm.f32 $0.0e+00;
	s7 =	simm.s32 $0x2;
	s8 =	simm.s32 $0x600;
	s5 =	sadd.s32 $0xF42800, s5  }
.LBB2_10:
0xc: {  	_ =	sdelay $0x4  }
0xd: {  	[tilespmem:v4+s10+$0x0] =	vst.idx.msk vm0, v2  }
.LBB2_11:
0xe: {  	s11 =	sadd.s32 $0x1, s11  }
0xf: {  	p0 =	sne.s32 s11, s6  }
.Ltmp1:
0x10: {  	_ = 	snop;
	(pc) =	sbr.rel @!p0 .LBB2_12-.Ltmp1, $4  }
0x11: {  	[hbm4b:s5+s2] =	stream.linear.scatter [tilespmem:s10], [sflag:$0x2], $0x10000, $0x38;
	[tilespmem:$0x10880] =	vst v63  }
0x12: {  	_ =	swait.ge [sflag:s7], $0x10000  }
0x13: {  	[sflag:s7] =	ssyncset.done $0x0  }
0x14: {  	[sflag:s7] =	ssyncadd.s32 $0xFFFF0000  }
.LBB2_1:
0x15: {  	[tilespmem:s2], [sflag:$0x2] =	stream.linear.gather [hbm4b:s4+s2], $0x200, $0x38;
	[tilespmem:$0x10880] =	vst v63  }
0x16: {  	_ =	swait.ge [sflag:s7], $0x200  }
0x17: {  	[sflag:s7] =	ssyncset.done $0x0  }
0x18: {  	[sflag:s7] =	ssyncadd.s32 $0xFFFFFE00  }
0x19: {  	v3 =	vld [tilespmem:s2+$0x0];
	_ =	sdelay $0x4  }
0x1a: {  	vm0 =	vgt.s32 v3, $0xF423F  }
0x1b: {  	v4 =	vsel vm0, $0x1, v0  }
0x1c: {  	(xrf0) =	vadd.scan.msk.s32 $0xffff, v4;
	_ =	sdelay $0x3  }
0x1d: {  	v4 =	vmov s2  }
0x1e: {  	v4 =	vadd.s32 $0xFFFFFFFF, v4  }
0x1f: {  	v4 =	vbroadcast v4, $0x0;
	v5, _, _ =	vpop (xrf0)  }
0x20: {  	(v2sf) =	vpush v5, $0xF  }
0x21: {  	v4 =	vadd.s32 v5, v4  }
0x22: {  	v3 =	vsel vm0, $0x0, v3  }
0x23: {  	s12 =	simm.s32 $0x200;
	v5 =	vshrl.u32 v3, $0x3  }
0x24: {  	s13 =	simm.s32 $0x400;
	v3 =	vand.u32 $0x7, v3;
	[tilespmem:s12+$0x0] =	vst v5  }
0x25: {  	[tilespmem:s13+$0x0] =	vst v3;
	v3 =	vor.u32 s2, v1  }
0x26: {  	s14 =	simm.s32 $0x10;
	[tilespmem:v4+s8+$0x0] =	vst.idx.msk vm0, v3  }
0x27: {  	v3 =	vld [tilespmem:s14+$0x0];
	_ =	sdelay $0x4  }
0x28: {  	vm0 =	vgt.s32 v3, $0xF423F  }
0x29: {  	v3 =	vsel vm0, $0x0, v3;
	v4 =	vsel vm0, $0x1, v0  }
0x2a: {  	s16 =	simm.s32 $0x20;
	s17 =	simm.s32 $0x210;
	s18 =	simm.s32 $0x0;
	v5 =	vshrl.u32 v3, $0x3;
	(xrf0) =	vadd.scan.msk.s32 $0xffff, v4  }
0x2b: {  	s15 =	simm.s32 $0x400;
	s19 =	simm.s32 $0x10;
	[tilespmem:s17+$0x0] =	vst v5;
	s20 =	spop (v2sf)  }
.LBB2_2:
0x2c: {  	p0 =	sne.s32 s16, $0x1F0;
	s18 =	sadd.s32 s18, s20;
	s15 =	sadd.s32 $0x10, s15  }
0x2d: {  	s20 =	smov.u32 s16;
	s16 =	sadd.s32 $0x10, s16;
	v4 =	vmov s18  }
0x2e: {  	v4 =	vadd.s32 $0xFFFFFFFF, v4  }
0x2f: {  	v4 =	vbroadcast v4, $0x0  }
0x30: {  	v5, _, _ =	vpop (xrf0)  }
0x31: {  	v4 =	vadd.s32 v5, v4;
	(v2sf) =	vpush v5, $0xF;
	_ =	sdelay $0x2  }
0x32: {  	v3 =	vand.u32 $0x7, v3  }
0x33: {  	[tilespmem:s15+$0x0] =	vst v3;
	v3 =	vor.u32 s14, v1;
	s14 =	smov.u32 s20  }
0x34: {  	[tilespmem:v4+s8+$0x0] =	vst.idx.msk vm0, v3  }
0x35: {  	s19 =	sadd.s32 $0x10, s19  }
0x36: {  	v3 =	vld [tilespmem:s19+$0x0];
	_ =	sdelay $0x3  }
.Ltmp2:
0x37: {  	(pc) =	sbr.rel @p0 .LBB2_2-.Ltmp2, $4  }
0x38: {  	vm0 =	vgt.s32 v3, $0xF423F  }
0x39: {  	v3 =	vsel vm0, $0x0, v3;
	v4 =	vsel vm0, $0x1, v0  }
0x3a: {  	s17 =	sadd.s32 $0x10, s17;
	v5 =	vshrl.u32 v3, $0x3;
	(xrf0) =	vadd.scan.msk.s32 $0xffff, v4  }
0x3b: {  	[tilespmem:s17+$0x0] =	vst v5;
	s20 =	spop (v2sf)  }
0x3c: {  	_ =	sdelay $0x3  }
0x3d: {  	v4, _, _ =	vpop (xrf0)  }
0x3e: {  	(v2sf) =	vpush v4, $0xF;
	_ =	sdelay $0x5  }
0x3f: {  	s16 =	sadd.s32 s18, s20  }
0x40: {  	v5 =	vmov s16  }
0x41: {  	v5 =	vadd.s32 $0xFFFFFFFF, v5  }
0x42: {  	v5 =	vbroadcast v5, $0x0;
	_ =	sdelay $0x1  }
0x43: {  	v4 =	vadd.s32 v4, v5;
	_ =	sdelay $0x2  }
0x44: {  	s15 =	sadd.s32 $0x10, s15;
	v3 =	vand.u32 $0x7, v3  }
0x45: {  	[tilespmem:s15+$0x0] =	vst v3;
	v3 =	vor.u32 s14, v1;
	s31 =	spop (v2sf)  }
0x46: {  	s15 =	simm.s32 $0x0;
	[tilespmem:v4+s8+$0x0] =	vst.idx.msk vm0, v3;
	s14 =	sadd.s32 s16, s31  }
.LBB2_4:
0x47: {  	v3 =	vld [tilespmem:s13+$0x0];
	_ =	sdelay $0x4  }
0x48: {  	v4 =	vld [tilespmem:s12+$0x0];
	v3 =	vshll.u32 v3, $0x7  }
0x49: {  	(v2sf) =	vpush v3, $0x0;
	_ =	sdelay $0x3  }
0x4a: {  	v4 =	vshll.u32 v4, $0xA  }
0x4b: {  	(v2sf) =	vpush v4, $0x0  }
0x4c: {  	(v2sf) =	vpush v3, $0x1  }
0x4d: {  	(v2sf) =	vpush v4, $0x1;
	_ =	sdelay $0x4  }
0x4e: {  	(v2sf) =	vpush v3, $0x2;
	_ =	sdelay $0x2  }
0x4f: {  	s16 =	spop (v2sf);
	(v2sf) =	vpush v4, $0x2;
	_ =	sdelay $0x3  }
0x50: {  	(v2sf) =	vpush v3, $0x3  }
0x51: {  	s18 =	spop (v2sf)  }
0x52: {  	s31 =	spop (v2sf);
	(v2sf) =	vpush v4, $0x3  }
0x53: {  	s19 =	spop (v2sf);
	(v2sf) =	vpush v3, $0x4  }
0x54: {  	s17 =	sand.u32 $0xFFFFFC00, s16  }
0x55: {  	s16 =	sand.u32 $0x380, s16;
	s17 =	sadd.s32 s18, s17  }
0x56: {  	s17 =	sor.u32 s16, s17  }
0x57: {  	s16 =	sshra.s32 s15, $0x2;
	s20 =	sand.u32 $0xFFFFFC00, s31;
	s17 =	sshrl.u32 s17, $0x3  }
0x58: {  	s30 =	sadd.s32 $0x880, s16;
	s22 =	spop (v2sf);
	(v2sf) =	vpush v4, $0x4;
	s17 =	sadd.s32 s3, s17  }
0x59: {  	[tilespmem:s30], [sflag:$0x1] =	stream.linear.gather [hbm4b:s17+s2], $0x80, $0x38;
	[tilespmem:$0x10880] =	vst v63  }
0x5a: {  	s18 =	sadd.s32 s19, s20;
	s17 =	sand.u32 $0x380, s31  }
0x5b: {  	s17 =	sor.u32 s17, s18;
	s24 =	spop (v2sf);
	(v2sf) =	vpush v3, $0x5  }
0x5c: {  	s17 =	sshrl.u32 s17, $0x3  }
0x5d: {  	s21 =	sadd.s32 $0x900, s16;
	s17 =	sadd.s32 s3, s17  }
0x5e: {  	[tilespmem:s21], [sflag:$0x1] =	stream.linear.gather [hbm4b:s17+s2], $0x80, $0x38;
	[tilespmem:$0x10880] =	vst v63  }
0x5f: {  	s23 =	sand.u32 $0xFFFFFC00, s22;
	s26 =	spop (v2sf);
	(v2sf) =	vpush v4, $0x5  }
0x60: {  	s17 =	sand.u32 $0x380, s22;
	s18 =	sadd.s32 s24, s23  }
0x61: {  	s17 =	sor.u32 s17, s18;
	s29 =	spop (v2sf);
	(v2sf) =	vpush v3, $0x6  }
0x62: {  	s17 =	sshrl.u32 s17, $0x3;
	s31 =	spop (v2sf);
	(v2sf) =	vpush v4, $0x6  }
0x63: {  	s25 =	sadd.s32 $0x980, s16;
	s28 =	sand.u32 $0xFFFFFC00, s26;
	s17 =	sadd.s32 s3, s17  }
0x64: {  	[tilespmem:s25], [sflag:$0x1] =	stream.linear.gather [hbm4b:s17+s2], $0x80, $0x38;
	[tilespmem:$0x10880] =	vst v63  }
0x65: {  	s18 =	sadd.s32 s29, s28;
	s17 =	sand.u32 $0x380, s26  }
0x66: {  	s17 =	sor.u32 s17, s18  }
0x67: {  	s20 =	spop (v2sf);
	(v2sf) =	vpush v3, $0x7;
	s17 =	sshrl.u32 s17, $0x3  }
0x68: {  	s30 =	sadd.s32 $0xA00, s16;
	s17 =	sadd.s32 s3, s17  }
0x69: {  	[tilespmem:s30], [sflag:$0x1] =	stream.linear.gather [hbm4b:s17+s2], $0x80, $0x38;
	[tilespmem:$0x10880] =	vst v63  }
0x6a: {  	s19 =	sand.u32 $0xFFFFFC00, s31;
	s22 =	spop (v2sf);
	(v2sf) =	vpush v4, $0x7  }
0x6b: {  	s18 =	sadd.s32 s20, s19;
	s17 =	sand.u32 $0x380, s31  }
0x6c: {  	s17 =	sor.u32 s17, s18  }
0x6d: {  	s17 =	sshrl.u32 s17, $0x3  }
0x6e: {  	s21 =	sadd.s32 $0xA80, s16;
	s17 =	sadd.s32 s3, s17;
	s24 =	spop (v2sf);
	(v2sf) =	vpush v3, $0x8  }
0x6f: {  	[tilespmem:s21], [sflag:$0x1] =	stream.linear.gather [hbm4b:s17+s2], $0x80, $0x38;
	[tilespmem:$0x10880] =	vst v63  }
0x70: {  	s26 =	spop (v2sf);
	(v2sf) =	vpush v4, $0x8  }
0x71: {  	s29 =	spop (v2sf);
	(v2sf) =	vpush v3, $0x9  }
0x72: {  	s23 =	sand.u32 $0xFFFFFC00, s22  }
0x73: {  	s17 =	sand.u32 $0x380, s22;
	s18 =	sadd.s32 s24, s23  }
0x74: {  	s17 =	sor.u32 s17, s18  }
0x75: {  	s25 =	sadd.s32 $0xB00, s16;
	s17 =	sshrl.u32 s17, $0x3  }
0x76: {  	s28 =	sand.u32 $0xFFFFFC00, s26;
	s31 =	spop (v2sf);
	(v2sf) =	vpush v4, $0x9;
	s17 =	sadd.s32 s3, s17  }
0x77: {  	[tilespmem:s25], [sflag:$0x1] =	stream.linear.gather [hbm4b:s17+s2], $0x80, $0x38;
	[tilespmem:$0x10880] =	vst v63  }
0x78: {  	s18 =	sadd.s32 s29, s28;
	s17 =	sand.u32 $0x380, s26  }
0x79: {  	s17 =	sor.u32 s17, s18;
	s20 =	spop (v2sf);
	(v2sf) =	vpush v3, $0xA  }
0x7a: {  	s17 =	sshrl.u32 s17, $0x3  }
0x7b: {  	s30 =	sadd.s32 $0xB80, s16;
	s19 =	sand.u32 $0xFFFFFC00, s31;
	s17 =	sadd.s32 s3, s17  }
0x7c: {  	[tilespmem:s30], [sflag:$0x1] =	stream.linear.gather [hbm4b:s17+s2], $0x80, $0x38;
	[tilespmem:$0x10880] =	vst v63  }
0x7d: {  	s17 =	sand.u32 $0x380, s31;
	s18 =	sadd.s32 s20, s19;
	s22 =	spop (v2sf);
	(v2sf) =	vpush v4, $0xA  }
0x7e: {  	s17 =	sor.u32 s17, s18  }
0x7f: {  	s21 =	sadd.s32 $0xC00, s16;
	s24 =	spop (v2sf);
	s17 =	sshrl.u32 s17, $0x3  }
0x80: {  	s23 =	sand.u32 $0xFFFFFC00, s22;
	(v2sf) =	vpush v3, $0xB;
	s26 =	spop (v2sf);
	s17 =	sadd.s32 s3, s17  }
0x81: {  	(v2sf) =	vpush v4, $0xB;
	[tilespmem:s21], [sflag:$0x1] =	stream.linear.gather [hbm4b:s17+s2], $0x80, $0x38;
	[tilespmem:$0x10880] =	vst v63  }
0x82: {  	s18 =	sadd.s32 s24, s23;
	s17 =	sand.u32 $0x380, s22  }
0x83: {  	s17 =	sor.u32 s17, s18  }
0x84: {  	s25 =	sadd.s32 $0xC80, s16;
	s17 =	sshrl.u32 s17, $0x3  }
0x85: {  	s28 =	sand.u32 $0xFFFFFC00, s26;
	s29 =	spop (v2sf);
	s17 =	sadd.s32 s3, s17  }
0x86: {  	(v2sf) =	vpush v3, $0xC;
	[tilespmem:s25], [sflag:$0x1] =	stream.linear.gather [hbm4b:s17+s2], $0x80, $0x38;
	[tilespmem:$0x10880] =	vst v63  }
0x87: {  	s18 =	sadd.s32 s29, s28;
	s17 =	sand.u32 $0x380, s26  }
0x88: {  	s17 =	sor.u32 s17, s18;
	s31 =	spop (v2sf);
	(v2sf) =	vpush v4, $0xC  }
0x89: {  	s17 =	sshrl.u32 s17, $0x3  }
0x8a: {  	s30 =	sadd.s32 $0xD00, s16;
	s17 =	sadd.s32 s3, s17  }
0x8b: {  	[tilespmem:s30], [sflag:$0x1] =	stream.linear.gather [hbm4b:s17+s2], $0x80, $0x38;
	(v2sf) =	vpush v3, $0xD;
	[tilespmem:$0x10880] =	vst v63  }
0x8c: {  	s20 =	sand.u32 $0xFFFFFC00, s31;
	s21 =	spop (v2sf);
	(v2sf) =	vpush v4, $0xD  }
0x8d: {  	s17 =	sand.u32 $0x380, s31;
	s18 =	sadd.s32 s21, s20  }
0x8e: {  	s17 =	sor.u32 s17, s18  }
0x8f: {  	s22 =	sadd.s32 $0xD80, s16;
	s23 =	spop (v2sf);
	s17 =	sshrl.u32 s17, $0x3  }
0x90: {  	s24 =	sand.u32 $0xFFFFFC00, s23;
	s25 =	spop (v2sf);
	(v2sf) =	vpush v3, $0xE;
	s17 =	sadd.s32 s3, s17  }
0x91: {  	(v2sf) =	vpush v4, $0xE;
	[tilespmem:s22], [sflag:$0x1] =	stream.linear.gather [hbm4b:s17+s2], $0x80, $0x38;
	[tilespmem:$0x10880] =	vst v63  }
0x92: {  	s18 =	sadd.s32 s25, s24;
	s17 =	sand.u32 $0x380, s23  }
0x93: {  	s17 =	sor.u32 s17, s18  }
0x94: {  	s17 =	sshrl.u32 s17, $0x3  }
0x95: {  	s26 =	sadd.s32 $0xE00, s16;
	s28 =	spop (v2sf);
	s17 =	sadd.s32 s3, s17  }
0x96: {  	[tilespmem:s26], [sflag:$0x1] =	stream.linear.gather [hbm4b:s17+s2], $0x80, $0x38;
	[tilespmem:$0x10880] =	vst v63  }
0x97: {  	s29 =	sand.u32 $0xFFFFFC00, s28;
	s30 =	spop (v2sf)  }
0x98: {  	s17 =	sand.u32 $0x380, s28;
	(v2sf) =	vpush v4, $0xF;
	s18 =	sadd.s32 s30, s29  }
0x99: {  	(v2sf) =	vpush v3, $0xF;
	s17 =	sor.u32 s17, s18  }
0x9a: {  	s20 =	sadd.s32 $0xE80, s16;
	s31 =	spop (v2sf);
	s17 =	sshrl.u32 s17, $0x3  }
0x9b: {  	s21 =	spop (v2sf);
	s22 =	sand.u32 $0xFFFFFC00, s31;
	s17 =	sadd.s32 s3, s17  }
0x9c: {  	[tilespmem:s20], [sflag:$0x1] =	stream.linear.gather [hbm4b:s17+s2], $0x80, $0x38;
	[tilespmem:$0x10880] =	vst v63  }
0x9d: {  	s18 =	sand.u32 $0x380, s31;
	s17 =	sadd.s32 s21, s22  }
0x9e: {  	s17 =	sor.u32 s18, s17  }
0x9f: {  	s24 =	sadd.s32 $0xF00, s16;
	s23 =	spop (v2sf);
	s17 =	sshrl.u32 s17, $0x3  }
0xa0: {  	s25 =	spop (v2sf);
	s26 =	sand.u32 $0xFFFFFC00, s23;
	s17 =	sadd.s32 s3, s17  }
0xa1: {  	[tilespmem:s24], [sflag:$0x1] =	stream.linear.gather [hbm4b:s17+s2], $0x80, $0x38;
	[tilespmem:$0x10880] =	vst v63  }
0xa2: {  	s18 =	sand.u32 $0x380, s23;
	s17 =	sadd.s32 s25, s26  }
0xa3: {  	s17 =	sor.u32 s18, s17  }
0xa4: {  	s17 =	sshrl.u32 s17, $0x3  }
0xa5: {  	s29 =	sadd.s32 $0xF80, s16;
	s17 =	sadd.s32 s3, s17  }
0xa6: {  	[tilespmem:s29], [sflag:$0x1] =	stream.linear.gather [hbm4b:s17+s2], $0x80, $0x38;
	[tilespmem:$0x10880] =	vst v63  }
0xa7: {  	s28 =	spop (v2sf)  }
0xa8: {  	s30 =	spop (v2sf)  }
0xa9: {  	p0 =	sne.s32 s15, $0x3E000;
	s31 =	sand.u32 $0xFFFFFC00, s30  }
.Ltmp3:
0xaa: {  	s17 =	sand.u32 $0x380, s30;
	s18 =	sadd.s32 s28, s31;
	(pc) =	sbr.rel @p0 .LBB2_4-.Ltmp3, $4  }
0xab: {  	s17 =	sor.u32 s17, s18  }
0xac: {  	s12 =	sadd.s32 $0x10, s12;
	s13 =	sadd.s32 $0x10, s13;
	s17 =	sshrl.u32 s17, $0x3  }
0xad: {  	s15 =	sadd.s32 $0x2000, s15;
	s16 =	sadd.s32 $0x1000, s16;
	s17 =	sadd.s32 s3, s17  }
0xae: {  	[tilespmem:s16], [sflag:$0x1] =	stream.linear.gather [hbm4b:s17+s2], $0x80, $0x38;
	[tilespmem:$0x10880] =	vst v63  }
0xaf: {  	_ =	swait.ge [sflag:s9], $0x80  }
0xb0: {  	s12 =	simm.s32 $0x1FF;
	[sflag:s9] =	ssyncset.done $0x0  }
.LBB2_6:
0xb1: {  	p0 =	sne.s32 s12, $0x1;
	s12 =	sadd.s32 $0xFFFFFFFF, s12;
	[sflag:s9] =	ssyncadd.s32 $0xFFFFFF80  }
.Ltmp4:
0xb2: {  	(pc) =	sbr.rel @p0 .LBB2_6-.Ltmp4, $3  }
0xb3: {  	_ =	sdelay $0x1  }
0xb4: {  	_ =	swait.ge [sflag:s9], $0x80  }
0xb5: {  	[sflag:s9] =	ssyncset.done $0x0  }
0xb6: {  	s12 =	sadd.s32 $0xF, s14  }
0xb7: {  	s13 =	sand.u32 $0xF, s12  }
0xb8: {  	s15 =	sshra.s32 s12, $0x1F;
	p0 =	slt.s32 s12, $0x1;
	p1 =	sne.s32 s13, $0x0  }
0xb9: {  	s31 =	sshrl.u32 s15, $0x1C;
	p0 =	por !p0, !p1  }
0xba: {  	s13 =	simm.s32 $0x1;
	s12 =	sadd.s32 s31, s12;
	p0 =	por !p0, !p0  }
0xbb: {  	s12 =	sshra.s32 s12, $0x4;
	s13 =	simm.s32 @!p0 $0x0  }
0xbc: {  	s15 =	ssub.s32 s12, s13  }
0xbd: {  	p0 =	slt.s32 s15, $0x1  }
.Ltmp5:
0xbe: {  	_ = 	snop;
	(pc) =	sbr.rel @p0 .LBB2_11-.Ltmp5, $2  }
0xbf: {  	_ =	sdelay $0x2  }
0xc0: {  	[sflag:s9] =	ssyncadd.s32 $0xFFFFFF80  }
0xc1: {  	s12 =	simm.s32 $0x600  }
0xc2: {  	v4 =	vld [tilespmem:s12+$0x0];
	_ =	sdelay $0x1  }
0xc3: {  	s13 =	simm.s32 $0x0  }
0xc4: {  	v3 =	vmov s14;
	v5 =	vor.u32 s13, v1  }
0xc5: {  	vm0 =	vlt.s32 v5, v3  }
0xc6: {  	v4 =	vshll.u32 v4, $0x7  }
0xc7: {  	v5 =	vor.u32 $0x1, v4  }
0xc8: {  	v6 =	vor.u32 $0x2, v4  }
0xc9: {  	v7 =	vor.u32 $0x3, v4  }
0xca: {  	v8 =	vor.u32 $0x4, v4  }
0xcb: {  	v9 =	vor.u32 $0x5, v4;
	[tilespmem:v4+s10+$0x0] =	vst.idx.msk vm0, v2  }
0xcc: {  	[tilespmem:v5+s10+$0x0] =	vst.idx.msk vm0, v2;
	v5 =	vor.u32 $0x6, v4  }
0xcd: {  	[tilespmem:v6+s10+$0x0] =	vst.idx.msk vm0, v2;
	v6 =	vor.u32 $0x7, v4  }
0xce: {  	[tilespmem:v7+s10+$0x0] =	vst.idx.msk vm0, v2;
	v7 =	vor.u32 $0x8, v4  }
0xcf: {  	v42 =	vor.u32 $0x9, v4;
	[tilespmem:v8+s10+$0x0] =	vst.idx.msk vm0, v2  }
0xd0: {  	v43 =	vor.u32 $0xA, v4;
	[tilespmem:v9+s10+$0x0] =	vst.idx.msk vm0, v2  }
0xd1: {  	[tilespmem:v5+s10+$0x0] =	vst.idx.msk vm0, v2;
	v5 =	vor.u32 $0xB, v4  }
0xd2: {  	[tilespmem:v6+s10+$0x0] =	vst.idx.msk vm0, v2;
	v6 =	vor.u32 $0xC, v4  }
0xd3: {  	[tilespmem:v7+s10+$0x0] =	vst.idx.msk vm0, v2;
	v7 =	vor.u32 $0xD, v4  }
0xd4: {  	v44 =	vor.u32 $0xE, v4;
	[tilespmem:v42+s10+$0x0] =	vst.idx.msk vm0, v2  }
0xd5: {  	v45 =	vor.u32 $0xF, v4;
	[tilespmem:v43+s10+$0x0] =	vst.idx.msk vm0, v2  }
0xd6: {  	[tilespmem:v5+s10+$0x0] =	vst.idx.msk vm0, v2;
	v5 =	vor.u32 $0x10, v4  }
0xd7: {  	[tilespmem:v6+s10+$0x0] =	vst.idx.msk vm0, v2;
	v6 =	vor.u32 $0x11, v4  }
0xd8: {  	[tilespmem:v7+s10+$0x0] =	vst.idx.msk vm0, v2;
	v7 =	vor.u32 $0x12, v4  }
0xd9: {  	v46 =	vor.u32 $0x13, v4;
	[tilespmem:v44+s10+$0x0] =	vst.idx.msk vm0, v2  }
0xda: {  	v47 =	vor.u32 $0x14, v4;
	[tilespmem:v45+s10+$0x0] =	vst.idx.msk vm0, v2  }
0xdb: {  	[tilespmem:v5+s10+$0x0] =	vst.idx.msk vm0, v2;
	v5 =	vor.u32 $0x15, v4  }
0xdc: {  	[tilespmem:v6+s10+$0x0] =	vst.idx.msk vm0, v2;
	v6 =	vor.u32 $0x16, v4  }
0xdd: {  	[tilespmem:v7+s10+$0x0] =	vst.idx.msk vm0, v2;
	v7 =	vor.u32 $0x17, v4  }
0xde: {  	v48 =	vor.u32 $0x18, v4;
	[tilespmem:v46+s10+$0x0] =	vst.idx.msk vm0, v2  }
0xdf: {  	v49 =	vor.u32 $0x19, v4;
	[tilespmem:v47+s10+$0x0] =	vst.idx.msk vm0, v2  }
0xe0: {  	[tilespmem:v5+s10+$0x0] =	vst.idx.msk vm0, v2;
	v5 =	vor.u32 $0x1A, v4  }
0xe1: {  	[tilespmem:v6+s10+$0x0] =	vst.idx.msk vm0, v2;
	v6 =	vor.u32 $0x1B, v4  }
0xe2: {  	[tilespmem:v7+s10+$0x0] =	vst.idx.msk vm0, v2;
	v7 =	vor.u32 $0x1C, v4  }
0xe3: {  	v50 =	vor.u32 $0x1D, v4;
	[tilespmem:v48+s10+$0x0] =	vst.idx.msk vm0, v2  }
0xe4: {  	v51 =	vor.u32 $0x1E, v4;
	[tilespmem:v49+s10+$0x0] =	vst.idx.msk vm0, v2  }
0xe5: {  	[tilespmem:v5+s10+$0x0] =	vst.idx.msk vm0, v2;
	v5 =	vor.u32 $0x1F, v4  }
0xe6: {  	[tilespmem:v6+s10+$0x0] =	vst.idx.msk vm0, v2;
	v6 =	vor.u32 $0x20, v4  }
0xe7: {  	[tilespmem:v7+s10+$0x0] =	vst.idx.msk vm0, v2;
	v7 =	vor.u32 $0x21, v4  }
0xe8: {  	v52 =	vor.u32 $0x22, v4;
	[tilespmem:v50+s10+$0x0] =	vst.idx.msk vm0, v2  }
0xe9: {  	v53 =	vor.u32 $0x23, v4;
	[tilespmem:v51+s10+$0x0] =	vst.idx.msk vm0, v2  }
0xea: {  	[tilespmem:v5+s10+$0x0] =	vst.idx.msk vm0, v2;
	v5 =	vor.u32 $0x24, v4  }
0xeb: {  	[tilespmem:v6+s10+$0x0] =	vst.idx.msk vm0, v2;
	v6 =	vor.u32 $0x25, v4  }
0xec: {  	[tilespmem:v7+s10+$0x0] =	vst.idx.msk vm0, v2;
	v7 =	vor.u32 $0x26, v4  }
0xed: {  	v54 =	vor.u32 $0x27, v4;
	[tilespmem:v52+s10+$0x0] =	vst.idx.msk vm0, v2  }
0xee: {  	v55 =	vor.u32 $0x28, v4;
	[tilespmem:v53+s10+$0x0] =	vst.idx.msk vm0, v2  }
0xef: {  	[tilespmem:v5+s10+$0x0] =	vst.idx.msk vm0, v2;
	v5 =	vor.u32 $0x29, v4  }
0xf0: {  	[tilespmem:v6+s10+$0x0] =	vst.idx.msk vm0, v2;
	v6 =	vor.u32 $0x2A, v4  }
0xf1: {  	[tilespmem:v7+s10+$0x0] =	vst.idx.msk vm0, v2;
	v7 =	vor.u32 $0x2B, v4  }
0xf2: {  	v56 =	vor.u32 $0x2C, v4;
	[tilespmem:v54+s10+$0x0] =	vst.idx.msk vm0, v2  }
0xf3: {  	v57 =	vor.u32 $0x2D, v4;
	[tilespmem:v55+s10+$0x0] =	vst.idx.msk vm0, v2  }
0xf4: {  	[tilespmem:v5+s10+$0x0] =	vst.idx.msk vm0, v2;
	v5 =	vor.u32 $0x2E, v4  }
0xf5: {  	[tilespmem:v6+s10+$0x0] =	vst.idx.msk vm0, v2;
	v6 =	vor.u32 $0x2F, v4  }
0xf6: {  	[tilespmem:v7+s10+$0x0] =	vst.idx.msk vm0, v2;
	v7 =	vor.u32 $0x30, v4  }
0xf7: {  	v58 =	vor.u32 $0x31, v4;
	[tilespmem:v56+s10+$0x0] =	vst.idx.msk vm0, v2  }
0xf8: {  	v59 =	vor.u32 $0x32, v4;
	[tilespmem:v57+s10+$0x0] =	vst.idx.msk vm0, v2  }
0xf9: {  	[tilespmem:v5+s10+$0x0] =	vst.idx.msk vm0, v2;
	v5 =	vor.u32 $0x33, v4  }
0xfa: {  	[tilespmem:v6+s10+$0x0] =	vst.idx.msk vm0, v2;
	v6 =	vor.u32 $0x34, v4  }
0xfb: {  	[tilespmem:v7+s10+$0x0] =	vst.idx.msk vm0, v2;
	v7 =	vor.u32 $0x35, v4  }
0xfc: {  	v60 =	vor.u32 $0x36, v4;
	[tilespmem:v58+s10+$0x0] =	vst.idx.msk vm0, v2  }
0xfd: {  	v61 =	vor.u32 $0x37, v4;
	[tilespmem:v59+s10+$0x0] =	vst.idx.msk vm0, v2  }
0xfe: {  	[tilespmem:v5+s10+$0x0] =	vst.idx.msk vm0, v2;
	v5 =	vor.u32 $0x38, v4  }
0xff: {  	[tilespmem:v6+s10+$0x0] =	vst.idx.msk vm0, v2;
	v6 =	vor.u32 $0x39, v4  }
0x100: {  	[tilespmem:v7+s10+$0x0] =	vst.idx.msk vm0, v2;
	v7 =	vor.u32 $0x3A, v4  }
0x101: {  	v62 =	vor.u32 $0x3B, v4;
	[tilespmem:v60+s10+$0x0] =	vst.idx.msk vm0, v2  }
0x102: {  	v63 =	vor.u32 $0x3C, v4;
	[tilespmem:v61+s10+$0x0] =	vst.idx.msk vm0, v2  }
0x103: {  	[tilespmem:v5+s10+$0x0] =	vst.idx.msk vm0, v2;
	v5 =	vor.u32 $0x3D, v4  }
0x104: {  	p0 =	sne.s32 s15, $0x1;
	[tilespmem:v6+s10+$0x0] =	vst.idx.msk vm0, v2;
	v6 =	vor.u32 $0x3E, v4  }
.Ltmp6:
0x105: {  	v4 =	vor.u32 $0x3F, v4;
	[tilespmem:v7+s10+$0x0] =	vst.idx.msk vm0, v2;
	(pc) =	sbr.rel @!p0 .LBB2_10-.Ltmp6, $4  }
0x106: {  	[tilespmem:v62+s10+$0x0] =	vst.idx.msk vm0, v2  }
0x107: {  	[tilespmem:v63+s10+$0x0] =	vst.idx.msk vm0, v2  }
0x108: {  	[tilespmem:v5+s10+$0x0] =	vst.idx.msk vm0, v2  }
0x109: {  	s14 =	sadd.s32 $0xFFFFFFFF, s15;
	[tilespmem:v6+s10+$0x0] =	vst.idx.msk vm0, v2  }
.LBB2_9:
0x10a: {  	p0 =	sne.s32 s14, $0x1;
	[tilespmem:v4+s10+$0x0] =	vst.idx.msk vm0, v2;
	s12 =	sadd.s32 $0x10, s12;
	s13 =	sadd.s32 $0x10, s13  }
0x10b: {  	s14 =	sadd.s32 $0xFFFFFFFF, s14;
	v4 =	vld [tilespmem:s12+$0x0];
	_ =	sdelay $0x2  }
0x10c: {  	v5 =	vor.u32 s13, v1  }
0x10d: {  	vm0 =	vlt.s32 v5, v3  }
0x10e: {  	v4 =	vshll.u32 v4, $0x7  }
0x10f: {  	v5 =	vor.u32 $0x1, v4  }
0x110: {  	v6 =	vor.u32 $0x2, v4  }
0x111: {  	v7 =	vor.u32 $0x3, v4  }
0x112: {  	v8 =	vor.u32 $0x4, v4  }
0x113: {  	v9 =	vor.u32 $0x5, v4;
	[tilespmem:v4+s10+$0x0] =	vst.idx.msk vm0, v2  }
0x114: {  	[tilespmem:v5+s10+$0x0] =	vst.idx.msk vm0, v2;
	v5 =	vor.u32 $0x6, v4  }
0x115: {  	[tilespmem:v6+s10+$0x0] =	vst.idx.msk vm0, v2;
	v6 =	vor.u32 $0x7, v4  }
0x116: {  	[tilespmem:v7+s10+$0x0] =	vst.idx.msk vm0, v2;
	v7 =	vor.u32 $0x8, v4  }
0x117: {  	[tilespmem:v8+s10+$0x0] =	vst.idx.msk vm0, v2;
	v8 =	vor.u32 $0x9, v4  }
0x118: {  	[tilespmem:v9+s10+$0x0] =	vst.idx.msk vm0, v2;
	v9 =	vor.u32 $0xA, v4  }
0x119: {  	[tilespmem:v5+s10+$0x0] =	vst.idx.msk vm0, v2;
	v5 =	vor.u32 $0xB, v4  }
0x11a: {  	[tilespmem:v6+s10+$0x0] =	vst.idx.msk vm0, v2;
	v6 =	vor.u32 $0xC, v4  }
0x11b: {  	[tilespmem:v7+s10+$0x0] =	vst.idx.msk vm0, v2;
	v7 =	vor.u32 $0xD, v4  }
0x11c: {  	[tilespmem:v8+s10+$0x0] =	vst.idx.msk vm0, v2;
	v8 =	vor.u32 $0xE, v4  }
0x11d: {  	[tilespmem:v9+s10+$0x0] =	vst.idx.msk vm0, v2;
	v9 =	vor.u32 $0xF, v4  }
0x11e: {  	[tilespmem:v5+s10+$0x0] =	vst.idx.msk vm0, v2;
	v5 =	vor.u32 $0x10, v4  }
0x11f: {  	[tilespmem:v6+s10+$0x0] =	vst.idx.msk vm0, v2;
	v6 =	vor.u32 $0x11, v4  }
0x120: {  	[tilespmem:v7+s10+$0x0] =	vst.idx.msk vm0, v2;
	v7 =	vor.u32 $0x12, v4  }
0x121: {  	[tilespmem:v8+s10+$0x0] =	vst.idx.msk vm0, v2;
	v8 =	vor.u32 $0x13, v4  }
0x122: {  	[tilespmem:v9+s10+$0x0] =	vst.idx.msk vm0, v2;
	v9 =	vor.u32 $0x14, v4  }
0x123: {  	[tilespmem:v5+s10+$0x0] =	vst.idx.msk vm0, v2;
	v5 =	vor.u32 $0x15, v4  }
0x124: {  	[tilespmem:v6+s10+$0x0] =	vst.idx.msk vm0, v2;
	v6 =	vor.u32 $0x16, v4  }
0x125: {  	[tilespmem:v7+s10+$0x0] =	vst.idx.msk vm0, v2;
	v7 =	vor.u32 $0x17, v4  }
0x126: {  	[tilespmem:v8+s10+$0x0] =	vst.idx.msk vm0, v2;
	v8 =	vor.u32 $0x18, v4  }
0x127: {  	[tilespmem:v9+s10+$0x0] =	vst.idx.msk vm0, v2;
	v9 =	vor.u32 $0x19, v4  }
0x128: {  	[tilespmem:v5+s10+$0x0] =	vst.idx.msk vm0, v2;
	v5 =	vor.u32 $0x1A, v4  }
0x129: {  	[tilespmem:v6+s10+$0x0] =	vst.idx.msk vm0, v2;
	v6 =	vor.u32 $0x1B, v4  }
0x12a: {  	[tilespmem:v7+s10+$0x0] =	vst.idx.msk vm0, v2;
	v7 =	vor.u32 $0x1C, v4  }
0x12b: {  	[tilespmem:v8+s10+$0x0] =	vst.idx.msk vm0, v2;
	v8 =	vor.u32 $0x1D, v4  }
0x12c: {  	[tilespmem:v9+s10+$0x0] =	vst.idx.msk vm0, v2;
	v9 =	vor.u32 $0x1E, v4  }
0x12d: {  	[tilespmem:v5+s10+$0x0] =	vst.idx.msk vm0, v2;
	v5 =	vor.u32 $0x1F, v4  }
0x12e: {  	[tilespmem:v6+s10+$0x0] =	vst.idx.msk vm0, v2;
	v6 =	vor.u32 $0x20, v4  }
0x12f: {  	[tilespmem:v7+s10+$0x0] =	vst.idx.msk vm0, v2;
	v7 =	vor.u32 $0x21, v4  }
0x130: {  	[tilespmem:v8+s10+$0x0] =	vst.idx.msk vm0, v2;
	v8 =	vor.u32 $0x22, v4  }
0x131: {  	[tilespmem:v9+s10+$0x0] =	vst.idx.msk vm0, v2;
	v9 =	vor.u32 $0x23, v4  }
0x132: {  	[tilespmem:v5+s10+$0x0] =	vst.idx.msk vm0, v2;
	v5 =	vor.u32 $0x24, v4  }
0x133: {  	[tilespmem:v6+s10+$0x0] =	vst.idx.msk vm0, v2;
	v6 =	vor.u32 $0x25, v4  }
0x134: {  	[tilespmem:v7+s10+$0x0] =	vst.idx.msk vm0, v2;
	v7 =	vor.u32 $0x26, v4  }
0x135: {  	[tilespmem:v8+s10+$0x0] =	vst.idx.msk vm0, v2;
	v8 =	vor.u32 $0x27, v4  }
0x136: {  	[tilespmem:v9+s10+$0x0] =	vst.idx.msk vm0, v2;
	v9 =	vor.u32 $0x28, v4  }
0x137: {  	[tilespmem:v5+s10+$0x0] =	vst.idx.msk vm0, v2;
	v5 =	vor.u32 $0x29, v4  }
0x138: {  	[tilespmem:v6+s10+$0x0] =	vst.idx.msk vm0, v2;
	v6 =	vor.u32 $0x2A, v4  }
0x139: {  	[tilespmem:v7+s10+$0x0] =	vst.idx.msk vm0, v2;
	v7 =	vor.u32 $0x2B, v4  }
0x13a: {  	[tilespmem:v8+s10+$0x0] =	vst.idx.msk vm0, v2;
	v8 =	vor.u32 $0x2C, v4  }
0x13b: {  	[tilespmem:v9+s10+$0x0] =	vst.idx.msk vm0, v2;
	v9 =	vor.u32 $0x2D, v4  }
0x13c: {  	[tilespmem:v5+s10+$0x0] =	vst.idx.msk vm0, v2;
	v5 =	vor.u32 $0x2E, v4  }
0x13d: {  	[tilespmem:v6+s10+$0x0] =	vst.idx.msk vm0, v2;
	v6 =	vor.u32 $0x2F, v4  }
0x13e: {  	[tilespmem:v7+s10+$0x0] =	vst.idx.msk vm0, v2;
	v7 =	vor.u32 $0x30, v4  }
0x13f: {  	[tilespmem:v8+s10+$0x0] =	vst.idx.msk vm0, v2;
	v8 =	vor.u32 $0x31, v4  }
0x140: {  	[tilespmem:v9+s10+$0x0] =	vst.idx.msk vm0, v2;
	v9 =	vor.u32 $0x32, v4  }
0x141: {  	[tilespmem:v5+s10+$0x0] =	vst.idx.msk vm0, v2;
	v5 =	vor.u32 $0x33, v4  }
0x142: {  	[tilespmem:v6+s10+$0x0] =	vst.idx.msk vm0, v2;
	v6 =	vor.u32 $0x34, v4  }
0x143: {  	[tilespmem:v7+s10+$0x0] =	vst.idx.msk vm0, v2;
	v7 =	vor.u32 $0x35, v4  }
0x144: {  	[tilespmem:v8+s10+$0x0] =	vst.idx.msk vm0, v2;
	v8 =	vor.u32 $0x36, v4  }
0x145: {  	[tilespmem:v9+s10+$0x0] =	vst.idx.msk vm0, v2;
	v9 =	vor.u32 $0x37, v4  }
0x146: {  	[tilespmem:v5+s10+$0x0] =	vst.idx.msk vm0, v2;
	v5 =	vor.u32 $0x38, v4  }
0x147: {  	[tilespmem:v6+s10+$0x0] =	vst.idx.msk vm0, v2;
	v6 =	vor.u32 $0x39, v4  }
0x148: {  	[tilespmem:v7+s10+$0x0] =	vst.idx.msk vm0, v2;
	v7 =	vor.u32 $0x3A, v4  }
0x149: {  	[tilespmem:v8+s10+$0x0] =	vst.idx.msk vm0, v2;
	v8 =	vor.u32 $0x3B, v4  }
0x14a: {  	[tilespmem:v9+s10+$0x0] =	vst.idx.msk vm0, v2;
	v9 =	vor.u32 $0x3C, v4  }
0x14b: {  	[tilespmem:v5+s10+$0x0] =	vst.idx.msk vm0, v2;
	v5 =	vor.u32 $0x3D, v4  }
0x14c: {  	[tilespmem:v6+s10+$0x0] =	vst.idx.msk vm0, v2;
	v6 =	vor.u32 $0x3E, v4  }
.Ltmp7:
0x14d: {  	v4 =	vor.u32 $0x3F, v4;
	[tilespmem:v7+s10+$0x0] =	vst.idx.msk vm0, v2;
	(pc) =	sbr.rel @p0 .LBB2_9-.Ltmp7, $4  }
0x14e: {  	[tilespmem:v8+s10+$0x0] =	vst.idx.msk vm0, v2  }
0x14f: {  	[tilespmem:v9+s10+$0x0] =	vst.idx.msk vm0, v2  }
0x150: {  	[tilespmem:v5+s10+$0x0] =	vst.idx.msk vm0, v2  }
0x151: {  	[tilespmem:v6+s10+$0x0] =	vst.idx.msk vm0, v2  }
.Ltmp8:
0x152: {  	_ = 	snop;
	(pc) =	sbr.rel .LBB2_10-.Ltmp8, $1  }
0x153: {  	_ =	sdelay $0x3  }
.LBB2_12:
0x154: {  	_ =	sfence.sel $0x180000  }
0x155: {  	[bflag:$0x0] =	sbarrier.arrive $0xFFFF  }
0x156: {  	p0 =	sne.s32 s1, $0x0;
	_ =	strace $0x90000047  }
0x157: {  	s0 =	sadd.s32 @!p0 $0x100000, s0;
	[bflag:$0x2] =	sbarrier.arrive $0xFFFF  }
0x158: {  	[sflag:s0] =	ssyncadd.tile.s32 @!p0 $0x1;
	_ =	shalt  }
.Lfunc_end2:
_tile_overlayer_lowered:
.L_overlay_start_2:
0x159: {  	(tag) =	ssettag $0x2  }
0x15a: {  	s0 =	rddreg [dreg:$0x0];
	s2 =	stileid.u32  }
0x15b: {  	s1 =	rddreg [dreg:$0x1];
	p0 =	sne.s32 s2, $0x0  }
0x15c: {  	s3 =	rddreg [dreg:$0x2];
	[bflag:$0x3] =	sbarrier.arrive $0xFFFF;
	s2 =	simm.s32 @!p0 $0x1C02  }
0x15d: {  	[timem:s3], [sflag:s2] =	dma.local @!p0 [hbm:s0], s1  }
0x15e: {  	s0 =	simm.s32 @!p0 $0x2  }
0x15f: {  	_ =	swait.ge @!p0 [sflag:s0], s1  }
0x160: {  	s1 =	ssub.s32 @!p0 $0x0, s1;
	[sflag:s0] =	ssyncset.done @!p0 $0x0  }
0x161: {  	[sflag:s0] =	ssyncadd.s32 @!p0 s1  }
0x162: {  	[bflag:$0x3] =	sbarrier.arrive $0xFFFF  }
0x163: {  	_ =	shalt  }

</sc_bundles>
